<compile_context>
chip_gen: v7x
topology: tpu7x:2x2x1
jax: 0.10.2.dev20260603
libtpu: 0.0.44.dev20260713+nightly
codegen_flags: <defaults>
</compile_context>

<pallas_src>
import functools

import jax
import jax.numpy as jnp
from jax import lax
from jax.experimental import pallas as pl
from jax.experimental.pallas import tpu as pltpu
from jax.experimental.pallas import tpu_sc as plsc

N = 10000
E = 320000
H = 128
G = 64

NC = 2
NS = 16
NW = NC * NS
EW = E // NW
CH = 80
NCH = EW // CH
GR = 5
NG = NCH // GR
NP = 10240
RT = NP // NS
ZR = 32



def _edge_body(h_hbm, src_hbm, dst_hbm, zeros_hbm, out_hbm, srcb, dstb,
               bank0, bank1, agg_sh, gsem0, gsem1):
    c = lax.axis_index("c")
    s = lax.axis_index("s")
    wid = s * NC + c

    base = pl.multiple_of(wid * EW, 8)
    pltpu.sync_copy(src_hbm.at[pl.ds(base, EW)], srcb)
    pltpu.sync_copy(dst_hbm.at[wid], dstb)

    def gather(j, bank, gsem):
        off = pl.multiple_of(j * CH, 8)
        pltpu.async_copy(h_hbm.at[srcb.at[pl.ds(off, CH)]], bank, gsem)

    def gwait(bank, gsem):
        pltpu.make_async_copy(h_hbm.at[srcb.at[pl.ds(0, CH)]], bank,
                              gsem).wait()

    def scatter(j, bank):
        pltpu.sync_copy(bank, agg_sh.at[dstb.at[j]], add=True)

    gather(0, bank0, gsem0)
    gather(1, bank1, gsem1)
    row0 = pl.multiple_of(s * RT, 8)
    pltpu.sync_copy(zeros_hbm.at[pl.ds(row0, RT)], agg_sh.at[pl.ds(row0, RT)])
    plsc.subcore_barrier()

    def pipe_step(j2, _):
        ja = j2 * 2
        gwait(bank0, gsem0)
        scatter(ja, bank0)
        gather(ja + 2, bank0, gsem0)
        gwait(bank1, gsem1)
        scatter(ja + 1, bank1)

        @pl.when(j2 < (NCH - 3) // 2)
        def _():
            gather(ja + 3, bank1, gsem1)
        return 0

    lax.fori_loop(0, (NCH - 1) // 2, pipe_step, 0)
    gwait(bank0, gsem0)
    scatter(NCH - 1, bank0)
    plsc.subcore_barrier()

    row0 = pl.multiple_of(s * RT, 8)
    pltpu.sync_copy(agg_sh.at[pl.ds(row0, RT)],
                    out_hbm.at[c].at[pl.ds(row0, RT)])


_edge_agg = pl.kernel(
    _edge_body,
    out_type=jax.ShapeDtypeStruct((NC, NP, H), jnp.float32),
    mesh=plsc.VectorSubcoreMesh(core_axis_name="c", subcore_axis_name="s"),
    scratch_types=[
        pltpu.VMEM((EW,), jnp.int32),
        pltpu.VMEM((NCH, CH), jnp.int32),
        pltpu.VMEM((CH, H), jnp.float32),
        pltpu.VMEM((CH, H), jnp.float32),
        pltpu.VMEM_SHARED((NP, H), jnp.float32),
        pltpu.SemaphoreType.DMA,
        pltpu.SemaphoreType.DMA,
    ],
)



def _embed_body(x_ref, w_ref, b_ref, h_ref, r_ref):
    h = _dot_mimic(x_ref[...], w_ref[...])
    h = h + b_ref[...]
    h_ref[...] = h
    r_ref[...] = jnp.maximum(h, 0.0)


def _embed(x, W_ln, b_ln):
    return pl.pallas_call(
        _embed_body,
        out_shape=[
            jax.ShapeDtypeStruct((N, H), jnp.float32),
            jax.ShapeDtypeStruct((N, H), jnp.float32),
        ],
    )(x, W_ln, b_ln.reshape(1, H))


def _dot_mimic(a, b):
    return jnp.dot(a.astype(jnp.bfloat16), b.astype(jnp.bfloat16),
                   preferred_element_type=jnp.float32)


def _bn_cols(u, g, b):
    m = jnp.mean(u, axis=0, keepdims=True)
    v = jnp.mean((u - m) ** 2, axis=0, keepdims=True)
    return (u - m) / jnp.sqrt(v + 1e-5) * g + b


def _mlp_core(h_ref, agg_ref, w1_ref, b1_ref, g1_ref, be1_ref, w2_ref,
              b2_ref, eps_ref):
    agg = agg_ref[0, :N] + agg_ref[1, :N]
    t = h_ref[...] * (1.0 + eps_ref[0, 0]) + agg
    u = _dot_mimic(t, w1_ref[...])
    u = u + b1_ref[...]
    u = _bn_cols(u, g1_ref[...], be1_ref[...])
    u = jnp.maximum(u, 0.0)
    o = _dot_mimic(u, w2_ref[...])
    return o + b2_ref[...]


def _mlp_body(h_ref, agg_ref, w1_ref, b1_ref, g1_ref, be1_ref,
              w2_ref, b2_ref, eps_ref, bng_ref, bnb_ref, out_ref):
    o = _mlp_core(h_ref, agg_ref, w1_ref, b1_ref, g1_ref, be1_ref, w2_ref,
                  b2_ref, eps_ref)
    o = _bn_cols(o, bng_ref[...], bnb_ref[...])
    out_ref[...] = jnp.maximum(o, 0.0)


def _mlp(h, agg, w1, b1, g1, be1, w2, b2, eps_i, bng_i, bnb_i):
    return pl.pallas_call(
        _mlp_body,
        out_shape=jax.ShapeDtypeStruct((N, H), jnp.float32),
    )(h, agg, w1, b1.reshape(1, -1), g1.reshape(1, -1), be1.reshape(1, -1),
      w2, b2.reshape(1, -1), eps_i.reshape(1, 1), bng_i.reshape(1, -1),
      bnb_i.reshape(1, -1))


def _last_body(h_ref, agg_ref, w1_ref, b1_ref, g1_ref, be1_ref, w2_ref,
               b2_ref, eps_ref, batch_ref, wo_ref, bo_ref, out_ref):
    o = _mlp_core(h_ref, agg_ref, w1_ref, b1_ref, g1_ref, be1_ref, w2_ref,
                  b2_ref, eps_ref)
    gids = lax.broadcasted_iota(jnp.int32, (G, N), 0)
    onehot = (batch_ref[...] == gids).astype(jnp.float32)
    sums = jnp.dot(onehot, o, preferred_element_type=jnp.float32,
                   precision=lax.Precision.HIGHEST)
    counts = jnp.maximum(jnp.sum(onehot, axis=1, keepdims=True), 1.0)
    pooled = sums / counts
    out_ref[...] = (
        jnp.dot(pooled, wo_ref[...], preferred_element_type=jnp.float32)
        + bo_ref[...])


def _last_mlp_pool(h, agg, w1, b1, g1, be1, w2, b2, eps_i, batch, W_out,
                   b_out):
    return pl.pallas_call(
        _last_body,
        out_shape=jax.ShapeDtypeStruct((G, W_out.shape[1]), jnp.float32),
    )(h, agg, w1, b1.reshape(1, -1), g1.reshape(1, -1), be1.reshape(1, -1),
      w2, b2.reshape(1, -1), eps_i.reshape(1, 1), batch.reshape(1, N),
      W_out, b_out.reshape(1, -1))



def kernel(x, edge_attr, W_ln, b_ln, W1, b1, g1, be1, W2, b2, eps, bng, bnb,
           W_out, b_out, edge_index, batch):
    src = edge_index[0]
    dst = edge_index[1].reshape(NW, NCH, CH)
    zeros = jnp.zeros((NP, H), jnp.float32)
    h, r = _embed(x, W_ln, b_ln)
    L = W1.shape[0]
    for i in range(L - 1):
        agg = _edge_agg(r if i == 0 else h, src, dst, zeros)
        h = _mlp(h, agg, W1[i], b1[i], g1[i], be1[i], W2[i], b2[i],
                 eps[i], bng[i], bnb[i])
    agg = _edge_agg(h, src, dst, zeros)
    return _last_mlp_pool(h, agg, W1[L - 1], b1[L - 1], g1[L - 1],
                          be1[L - 1], W2[L - 1], b2[L - 1], eps[L - 1],
                          batch, W_out, b_out)

# --- scband reference (transcript-rebuilt; emitter-appended) ---
"""Pipeline reference for scband-egnn-83227876262474 (READ-ONLY COPY).

The authoritative reference and input builder live on the scoring server;
editing this copy changes nothing except your own understanding.
"""

import jax, jax.numpy as jnp
import numpy as np

N = 10000
E = 320000
D = 128
H = 128
L = 3
G = 64
T = 1


def setup_inputs(seed: int = 0) -> dict:
    key = jax.random.key(seed)
    ks = jax.random.split(key, 20)
    x = jax.random.normal(ks[0], (N, D), dtype=jnp.float32)
    edge_index = jax.random.randint(ks[1], (2, E), 0, N, dtype=jnp.int32)
    edge_attr = jax.random.uniform(ks[2], (E, 4), dtype=jnp.float32)
    batch = jnp.sort(jax.random.randint(ks[3], (N,), 0, G, dtype=jnp.int32))
    s_d = 1.0 / np.sqrt(D)
    s_h = 1.0 / np.sqrt(H)
    s_2h = 1.0 / np.sqrt(2 * H)
    W_ln = jax.random.normal(ks[4], (D, H), dtype=jnp.float32) * s_d
    b_ln = jnp.zeros((H,), dtype=jnp.float32)
    W1 = jax.random.normal(ks[5], (L, H, 2 * H), dtype=jnp.float32) * s_h
    b1 = jnp.zeros((L, 2 * H), dtype=jnp.float32)
    g1 = jnp.ones((L, 2 * H), dtype=jnp.float32)
    be1 = jnp.zeros((L, 2 * H), dtype=jnp.float32)
    W2 = jax.random.normal(ks[6], (L, 2 * H, H), dtype=jnp.float32) * s_2h
    b2 = jnp.zeros((L, H), dtype=jnp.float32)
    eps = jnp.zeros((L,), dtype=jnp.float32)
    bng = jnp.ones((L - 1, H), dtype=jnp.float32)
    bnb = jnp.zeros((L - 1, H), dtype=jnp.float32)
    W_out = jax.random.normal(ks[7], (H, T), dtype=jnp.float32) * s_h
    b_out = jnp.zeros((T,), dtype=jnp.float32)
    return {
        'x': x, 'edge_attr': edge_attr, 'W_ln': W_ln, 'b_ln': b_ln,
        'W1': W1, 'b1': b1, 'g1': g1, 'be1': be1, 'W2': W2, 'b2': b2,
        'eps': eps, 'bng': bng, 'bnb': bnb, 'W_out': W_out, 'b_out': b_out,
        'edge_index': edge_index, 'batch': batch,
    }


def _bn(x, g, b):
    m = jnp.mean(x, axis=0)
    v = jnp.var(x, axis=0)
    return (x - m) / jnp.sqrt(v + 1e-5) * g + b


def reference(x, edge_attr, W_ln, b_ln, W1, b1, g1, be1, W2, b2, eps, bng, bnb, W_out, b_out, edge_index, batch):
    # EGNN forward (eval-mode dropout = identity; BatchNorm uses batch statistics).
    # EGINConv with mol=True passes edge_attr=None to propagate, so message = relu(x_j).
    src = edge_index[0]
    dst = edge_index[1]
    h = x @ W_ln + b_ln
    for i in range(L):
        msg = jax.nn.relu(h[src])
        agg = jnp.zeros_like(h).at[dst].add(msg)
        t = (1.0 + eps[i]) * h + agg
        t = t @ W1[i] + b1[i]
        t = _bn(t, g1[i], be1[i])
        t = jax.nn.relu(t)
        t = t @ W2[i] + b2[i]
        h = t
        if i < L - 1:
            h = _bn(h, bng[i], bnb[i])
            h = jax.nn.relu(h)
    ones = jnp.ones((N,), dtype=jnp.float32)
    counts = jnp.maximum(jax.ops.segment_sum(ones, batch, num_segments=G), 1.0)
    pooled = jax.ops.segment_sum(h, batch, num_segments=G) / counts[:, None]
    return pooled @ W_out + b_out

if __name__ == "__main__":
    import jax
    _d = setup_inputs()
    print(jax.jit(kernel)(*tuple(_d.values())))

</pallas_src>

<mosaic_0001>
#map = affine_map<(d0, d1) -> (0, 0)>
#map1 = affine_map<(d0, d1) -> (0)>
#map2 = affine_map<(d0, d1) -> (0, 0, 0)>
module attributes {stable_mosaic.version = 14 : i64} {
  func.func @_edge_body(%arg0: i32, %arg1: i32, %arg2: memref<10000x128xf32, #tpu.memory_space<hbm>>, %arg3: memref<320000xi32, #tpu.memory_space<hbm>>, %arg4: memref<32x125x80xi32, #tpu.memory_space<hbm>>, %arg5: memref<10240x128xf32, #tpu.memory_space<hbm>>, %arg6: memref<2x10240x128xf32, #tpu.memory_space<hbm>>, %arg7: memref<10000xi32, #tpu.memory_space<vmem>>, %arg8: memref<125x80xi32, #tpu.memory_space<vmem>>, %arg9: memref<80x128xf32, #tpu.memory_space<vmem>>, %arg10: memref<80x128xf32, #tpu.memory_space<vmem>>, %arg11: memref<10240x128xf32, #tpu.memory_space<vmem_shared>>, %arg12: memref<!tpu.dma_semaphore, #tpu.memory_space<semaphore_mem>>, %arg13: memref<!tpu.dma_semaphore, #tpu.memory_space<semaphore_mem>>) attributes {dimension_semantics = [#tpu.dimension_semantics<core_parallel>, #tpu.dimension_semantics<subcore_parallel>], iteration_bounds = array<i64: 2, 16>, scalar_prefetch = 0 : i64, scratch_operands = 7 : i64, tpu.core_type = #tpu.core_type<sc_vector_subcore>, window_params = [{transform_indices = #map}, {transform_indices = #map1}, {transform_indices = #map2}, {transform_indices = #map}, {transform_indices = #map2}]} {
    %mul3A = arith.constant 2 : i32
    %mul3A_0 = arith.muli %arg1, %mul3A : i32
    %add3A = arith.addi %mul3A_0, %arg0 : i32
    %mul3A_1 = arith.constant 10000 : i32
    %mul3A_2 = arith.muli %add3A, %mul3A_1 : i32
    %multiple_of3A = tpu.assume_multiple %mul3A_2, 8 : i32
    "tpu.region"() ({
      %run_scoped3A_31 = tpu.sem_alloc : memref<!tpu.dma_semaphore, #tpu.memory_space<semaphore_mem>>
      %dma_start3A_32 = tpu.memref_slice %arg3[%multiple_of3A] : memref<320000xi32, #tpu.memory_space<hbm>> -> memref<10000xi32, #tpu.memory_space<hbm>>
      %dma_start3A_33 = tpu.memref_slice %arg3[%multiple_of3A] : memref<320000xi32, #tpu.memory_space<hbm>> -> memref<10000xi32, #tpu.memory_space<hbm>>
      tpu.enqueue_dma source(%dma_start3A_33 : memref<10000xi32, #tpu.memory_space<hbm>>) target(%arg7 : memref<10000xi32, #tpu.memory_space<vmem>>) target_semaphore(%run_scoped3A_31 : memref<!tpu.dma_semaphore, #tpu.memory_space<semaphore_mem>>)
      %dma_wait3A_34 = tpu.memref_slice %arg3[%multiple_of3A] : memref<320000xi32, #tpu.memory_space<hbm>> -> memref<10000xi32, #tpu.memory_space<hbm>>
      %dma_wait3A_35 = tpu.memref_slice %arg3[%multiple_of3A] : memref<320000xi32, #tpu.memory_space<hbm>> -> memref<10000xi32, #tpu.memory_space<hbm>>
      tpu.wait_dma2 semaphore(%run_scoped3A_31 : memref<!tpu.dma_semaphore, #tpu.memory_space<semaphore_mem>>) src(%dma_wait3A_35 : memref<10000xi32, #tpu.memory_space<hbm>>) dst(%arg7 : memref<10000xi32, #tpu.memory_space<vmem>>)
      tpu.yield
    }) : () -> ()
    "tpu.region"() ({
      %run_scoped3A_31 = tpu.sem_alloc : memref<!tpu.dma_semaphore, #tpu.memory_space<semaphore_mem>>
      %dma_start3A_32 = arith.constant 0 : i32
      %dma_start3A_33 = arith.constant 0 : i32
      %dma_start3A_34 = tpu.memref_slice %arg4[%add3A, %dma_start3A_32, %dma_start3A_33] : memref<32x125x80xi32, #tpu.memory_space<hbm>> -> memref<1x125x80xi32, #tpu.memory_space<hbm>>
      %dma_start3A_35 = tpu.memref_squeeze %dma_start3A_34 : memref<1x125x80xi32, #tpu.memory_space<hbm>> -> memref<125x80xi32, #tpu.memory_space<hbm>>
      %dma_start3A_36 = arith.constant 0 : i32
      %dma_start3A_37 = arith.constant 0 : i32
      %dma_start3A_38 = tpu.memref_slice %arg4[%add3A, %dma_start3A_36, %dma_start3A_37] : memref<32x125x80xi32, #tpu.memory_space<hbm>> -> memref<1x125x80xi32, #tpu.memory_space<hbm>>
      %dma_start3A_39 = tpu.memref_squeeze %dma_start3A_38 : memref<1x125x80xi32, #tpu.memory_space<hbm>> -> memref<125x80xi32, #tpu.memory_space<hbm>>
      tpu.enqueue_dma source(%dma_start3A_39 : memref<125x80xi32, #tpu.memory_space<hbm>>) target(%arg8 : memref<125x80xi32, #tpu.memory_space<vmem>>) target_semaphore(%run_scoped3A_31 : memref<!tpu.dma_semaphore, #tpu.memory_space<semaphore_mem>>)
      %dma_wait3A_40 = arith.constant 0 : i32
      %dma_wait3A_41 = arith.constant 0 : i32
      %dma_wait3A_42 = tpu.memref_slice %arg4[%add3A, %dma_wait3A_40, %dma_wait3A_41] : memref<32x125x80xi32, #tpu.memory_space<hbm>> -> memref<1x125x80xi32, #tpu.memory_space<hbm>>
      %dma_wait3A_43 = tpu.memref_squeeze %dma_wait3A_42 : memref<1x125x80xi32, #tpu.memory_space<hbm>> -> memref<125x80xi32, #tpu.memory_space<hbm>>
      %dma_wait3A_44 = arith.constant 0 : i32
      %dma_wait3A_45 = arith.constant 0 : i32
      %dma_wait3A_46 = tpu.memref_slice %arg4[%add3A, %dma_wait3A_44, %dma_wait3A_45] : memref<32x125x80xi32, #tpu.memory_space<hbm>> -> memref<1x125x80xi32, #tpu.memory_space<hbm>>
      %dma_wait3A_47 = tpu.memref_squeeze %dma_wait3A_46 : memref<1x125x80xi32, #tpu.memory_space<hbm>> -> memref<125x80xi32, #tpu.memory_space<hbm>>
      tpu.wait_dma2 semaphore(%run_scoped3A_31 : memref<!tpu.dma_semaphore, #tpu.memory_space<semaphore_mem>>) src(%dma_wait3A_47 : memref<125x80xi32, #tpu.memory_space<hbm>>) dst(%arg8 : memref<125x80xi32, #tpu.memory_space<vmem>>)
      tpu.yield
    }) : () -> ()
    %multiple_of3A_3 = arith.constant 0 : i32
    %multiple_of3A_4 = tpu.assume_multiple %multiple_of3A_3, 8 : i32
    %dma_start3A = tpu.memref_slice %arg7[%multiple_of3A_4] : memref<10000xi32, #tpu.memory_space<vmem>> -> memref<80xi32, #tpu.memory_space<vmem>>
    %dma_start3A_5 = arith.constant 0 : i32
    %dma_start3A_6 = arith.constant 0 : i32
    %dma_start3A_7 = tpu.memref_slice %arg2[%dma_start3A_5, %dma_start3A_6] : memref<10000x128xf32, #tpu.memory_space<hbm>> -> memref<10000x128xf32, #tpu.memory_space<hbm>>
    tpu.enqueue_indirect_dma source(%dma_start3A_7 : memref<10000x128xf32, #tpu.memory_space<hbm>>) target(%arg9 : memref<80x128xf32, #tpu.memory_space<vmem>>) offsets(%dma_start3A : memref<80xi32, #tpu.memory_space<vmem>>) semaphore(%arg12 : memref<!tpu.dma_semaphore, #tpu.memory_space<semaphore_mem>>)
    %multiple_of3A_8 = arith.constant 80 : i32
    %multiple_of3A_9 = tpu.assume_multiple %multiple_of3A_8, 8 : i32
    %dma_start3A_10 = tpu.memref_slice %arg7[%multiple_of3A_9] : memref<10000xi32, #tpu.memory_space<vmem>> -> memref<80xi32, #tpu.memory_space<vmem>>
    %dma_start3A_11 = arith.constant 0 : i32
    %dma_start3A_12 = arith.constant 0 : i32
    %dma_start3A_13 = tpu.memref_slice %arg2[%dma_start3A_11, %dma_start3A_12] : memref<10000x128xf32, #tpu.memory_space<hbm>> -> memref<10000x128xf32, #tpu.memory_space<hbm>>
    tpu.enqueue_indirect_dma source(%dma_start3A_13 : memref<10000x128xf32, #tpu.memory_space<hbm>>) target(%arg10 : memref<80x128xf32, #tpu.memory_space<vmem>>) offsets(%dma_start3A_10 : memref<80xi32, #tpu.memory_space<vmem>>) semaphore(%arg13 : memref<!tpu.dma_semaphore, #tpu.memory_space<semaphore_mem>>)
    %mul3A_14 = arith.constant 640 : i32
    %mul3A_15 = arith.muli %arg1, %mul3A_14 : i32
    %multiple_of3A_16 = tpu.assume_multiple %mul3A_15, 8 : i32
    "tpu.region"() ({
      %run_scoped3A_31 = tpu.sem_alloc : memref<!tpu.dma_semaphore, #tpu.memory_space<semaphore_mem>>
      %dma_start3A_32 = arith.constant 0 : i32
      %dma_start3A_33 = tpu.memref_slice %arg11[%multiple_of3A_16, %dma_start3A_32] : memref<10240x128xf32, #tpu.memory_space<vmem_shared>> -> memref<640x128xf32, #tpu.memory_space<vmem_shared>>
      %dma_start3A_34 = arith.constant 0 : i32
      %dma_start3A_35 = tpu.memref_slice %arg5[%multiple_of3A_16, %dma_start3A_34] : memref<10240x128xf32, #tpu.memory_space<hbm>> -> memref<640x128xf32, #tpu.memory_space<hbm>>
      tpu.enqueue_dma source(%dma_start3A_35 : memref<640x128xf32, #tpu.memory_space<hbm>>) target(%dma_start3A_33 : memref<640x128xf32, #tpu.memory_space<vmem_shared>>) target_semaphore(%run_scoped3A_31 : memref<!tpu.dma_semaphore, #tpu.memory_space<semaphore_mem>>)
      %dma_wait3A_36 = arith.constant 0 : i32
      %dma_wait3A_37 = tpu.memref_slice %arg11[%multiple_of3A_16, %dma_wait3A_36] : memref<10240x128xf32, #tpu.memory_space<vmem_shared>> -> memref<640x128xf32, #tpu.memory_space<vmem_shared>>
      %dma_wait3A_38 = arith.constant 0 : i32
      %dma_wait3A_39 = tpu.memref_slice %arg5[%multiple_of3A_16, %dma_wait3A_38] : memref<10240x128xf32, #tpu.memory_space<hbm>> -> memref<640x128xf32, #tpu.memory_space<hbm>>
      tpu.wait_dma2 semaphore(%run_scoped3A_31 : memref<!tpu.dma_semaphore, #tpu.memory_space<semaphore_mem>>) src(%dma_wait3A_39 : memref<640x128xf32, #tpu.memory_space<hbm>>) dst(%dma_wait3A_37 : memref<640x128xf32, #tpu.memory_space<vmem_shared>>)
      tpu.yield
    }) : () -> ()
    %barrier3A = arith.constant 0 : index
    tpu.barrier barrier_id(%barrier3A)
    %scan3A = arith.constant 0 : i32
    %scan3A_17 = arith.constant 0 : i32
    %scan3A_18 = arith.constant 62 : i32
    %scan3A_19 = arith.addi %scan3A_17, %scan3A_18 : i32
    %scan3A_20 = arith.constant 1 : i32
    %scan3A_21 = scf.for %scan3A_31 = %scan3A_17 to %scan3A_19 step %scan3A_20 iter_args(%scan3A_32 = %scan3A) -> (i32)  : i32 {
      %mul3A_33 = arith.constant 2 : i32
      %mul3A_34 = arith.muli %scan3A_31, %mul3A_33 : i32
      %dma_wait3A_35 = arith.constant 0 : i32
      %dma_wait3A_36 = tpu.memref_slice %arg7[%dma_wait3A_35] : memref<10000xi32, #tpu.memory_space<vmem>> -> memref<80xi32, #tpu.memory_space<vmem>>
      %dma_wait3A_37 = arith.constant 0 : i32
      %dma_wait3A_38 = arith.constant 0 : i32
      %dma_wait3A_39 = tpu.memref_slice %arg2[%dma_wait3A_37, %dma_wait3A_38] : memref<10000x128xf32, #tpu.memory_space<hbm>> -> memref<10000x128xf32, #tpu.memory_space<hbm>>
      tpu.wait_indirect_dma semaphore(%arg12 : memref<!tpu.dma_semaphore, #tpu.memory_space<semaphore_mem>>) src(%dma_wait3A_39 : memref<10000x128xf32, #tpu.memory_space<hbm>>) dst(%arg9 : memref<80x128xf32, #tpu.memory_space<vmem>>)
      "tpu.region"() ({
        %run_scoped3A_59 = tpu.sem_alloc : memref<!tpu.dma_semaphore, #tpu.memory_space<semaphore_mem>>
        %dma_start3A_60 = arith.constant 0 : i32
        %dma_start3A_61 = tpu.memref_slice %arg8[%mul3A_34, %dma_start3A_60] : memref<125x80xi32, #tpu.memory_space<vmem>> -> memref<1x80xi32, #tpu.memory_space<vmem>>
        %dma_start3A_62 = tpu.memref_squeeze %dma_start3A_61 : memref<1x80xi32, #tpu.memory_space<vmem>> -> memref<80xi32, #tpu.memory_space<vmem>>
        %dma_start3A_63 = arith.constant 0 : i32
        %dma_start3A_64 = arith.constant 0 : i32
        %dma_start3A_65 = tpu.memref_slice %arg11[%dma_start3A_63, %dma_start3A_64] : memref<10240x128xf32, #tpu.memory_space<vmem_shared>> -> memref<10240x128xf32, #tpu.memory_space<vmem_shared>>
        tpu.enqueue_indirect_dma source(%arg9 : memref<80x128xf32, #tpu.memory_space<vmem>>) target(%dma_start3A_65 : memref<10240x128xf32, #tpu.memory_space<vmem_shared>>) offsets(%dma_start3A_62 : memref<80xi32, #tpu.memory_space<vmem>>) semaphore(%run_scoped3A_59 : memref<!tpu.dma_semaphore, #tpu.memory_space<semaphore_mem>>) {add = true}
        %dma_wait3A_66 = arith.constant 0 : i32
        %dma_wait3A_67 = tpu.memref_slice %arg8[%mul3A_34, %dma_wait3A_66] : memref<125x80xi32, #tpu.memory_space<vmem>> -> memref<1x80xi32, #tpu.memory_space<vmem>>
        %dma_wait3A_68 = tpu.memref_squeeze %dma_wait3A_67 : memref<1x80xi32, #tpu.memory_space<vmem>> -> memref<80xi32, #tpu.memory_space<vmem>>
        %dma_wait3A_69 = arith.constant 0 : i32
        %dma_wait3A_70 = arith.constant 0 : i32
        %dma_wait3A_71 = tpu.memref_slice %arg11[%dma_wait3A_69, %dma_wait3A_70] : memref<10240x128xf32, #tpu.memory_space<vmem_shared>> -> memref<10240x128xf32, #tpu.memory_space<vmem_shared>>
        tpu.wait_indirect_dma semaphore(%run_scoped3A_59 : memref<!tpu.dma_semaphore, #tpu.memory_space<semaphore_mem>>) src(%arg9 : memref<80x128xf32, #tpu.memory_space<vmem>>) dst(%dma_wait3A_71 : memref<10240x128xf32, #tpu.memory_space<vmem_shared>>)
        tpu.yield
      }) : () -> ()
      %add3A_40 = arith.constant 2 : i32
      %add3A_41 = arith.addi %mul3A_34, %add3A_40 : i32
      %mul3A_42 = arith.constant 80 : i32
      %mul3A_43 = arith.muli %add3A_41, %mul3A_42 : i32
      %multiple_of3A_44 = tpu.assume_multiple %mul3A_43, 8 : i32
      %dma_start3A_45 = tpu.memref_slice %arg7[%multiple_of3A_44] : memref<10000xi32, #tpu.memory_space<vmem>> -> memref<80xi32, #tpu.memory_space<vmem>>
      %dma_start3A_46 = arith.constant 0 : i32
      %dma_start3A_47 = arith.constant 0 : i32
      %dma_start3A_48 = tpu.memref_slice %arg2[%dma_start3A_46, %dma_start3A_47] : memref<10000x128xf32, #tpu.memory_space<hbm>> -> memref<10000x128xf32, #tpu.memory_space<hbm>>
      tpu.enqueue_indirect_dma source(%dma_start3A_48 : memref<10000x128xf32, #tpu.memory_space<hbm>>) target(%arg9 : memref<80x128xf32, #tpu.memory_space<vmem>>) offsets(%dma_start3A_45 : memref<80xi32, #tpu.memory_space<vmem>>) semaphore(%arg12 : memref<!tpu.dma_semaphore, #tpu.memory_space<semaphore_mem>>)
      %dma_wait3A_49 = arith.constant 0 : i32
      %dma_wait3A_50 = tpu.memref_slice %arg7[%dma_wait3A_49] : memref<10000xi32, #tpu.memory_space<vmem>> -> memref<80xi32, #tpu.memory_space<vmem>>
      %dma_wait3A_51 = arith.constant 0 : i32
      %dma_wait3A_52 = arith.constant 0 : i32
      %dma_wait3A_53 = tpu.memref_slice %arg2[%dma_wait3A_51, %dma_wait3A_52] : memref<10000x128xf32, #tpu.memory_space<hbm>> -> memref<10000x128xf32, #tpu.memory_space<hbm>>
      tpu.wait_indirect_dma semaphore(%arg13 : memref<!tpu.dma_semaphore, #tpu.memory_space<semaphore_mem>>) src(%dma_wait3A_53 : memref<10000x128xf32, #tpu.memory_space<hbm>>) dst(%arg10 : memref<80x128xf32, #tpu.memory_space<vmem>>)
      %add3A_54 = arith.constant 1 : i32
      %add3A_55 = arith.addi %mul3A_34, %add3A_54 : i32
      "tpu.region"() ({
        %run_scoped3A_59 = tpu.sem_alloc : memref<!tpu.dma_semaphore, #tpu.memory_space<semaphore_mem>>
        %dma_start3A_60 = arith.constant 0 : i32
        %dma_start3A_61 = tpu.memref_slice %arg8[%add3A_55, %dma_start3A_60] : memref<125x80xi32, #tpu.memory_space<vmem>> -> memref<1x80xi32, #tpu.memory_space<vmem>>
        %dma_start3A_62 = tpu.memref_squeeze %dma_start3A_61 : memref<1x80xi32, #tpu.memory_space<vmem>> -> memref<80xi32, #tpu.memory_space<vmem>>
        %dma_start3A_63 = arith.constant 0 : i32
        %dma_start3A_64 = arith.constant 0 : i32
        %dma_start3A_65 = tpu.memref_slice %arg11[%dma_start3A_63, %dma_start3A_64] : memref<10240x128xf32, #tpu.memory_space<vmem_shared>> -> memref<10240x128xf32, #tpu.memory_space<vmem_shared>>
        tpu.enqueue_indirect_dma source(%arg10 : memref<80x128xf32, #tpu.memory_space<vmem>>) target(%dma_start3A_65 : memref<10240x128xf32, #tpu.memory_space<vmem_shared>>) offsets(%dma_start3A_62 : memref<80xi32, #tpu.memory_space<vmem>>) semaphore(%run_scoped3A_59 : memref<!tpu.dma_semaphore, #tpu.memory_space<semaphore_mem>>) {add = true}
        %dma_wait3A_66 = arith.constant 0 : i32
        %dma_wait3A_67 = tpu.memref_slice %arg8[%add3A_55, %dma_wait3A_66] : memref<125x80xi32, #tpu.memory_space<vmem>> -> memref<1x80xi32, #tpu.memory_space<vmem>>
        %dma_wait3A_68 = tpu.memref_squeeze %dma_wait3A_67 : memref<1x80xi32, #tpu.memory_space<vmem>> -> memref<80xi32, #tpu.memory_space<vmem>>
        %dma_wait3A_69 = arith.constant 0 : i32
        %dma_wait3A_70 = arith.constant 0 : i32
        %dma_wait3A_71 = tpu.memref_slice %arg11[%dma_wait3A_69, %dma_wait3A_70] : memref<10240x128xf32, #tpu.memory_space<vmem_shared>> -> memref<10240x128xf32, #tpu.memory_space<vmem_shared>>
        tpu.wait_indirect_dma semaphore(%run_scoped3A_59 : memref<!tpu.dma_semaphore, #tpu.memory_space<semaphore_mem>>) src(%arg10 : memref<80x128xf32, #tpu.memory_space<vmem>>) dst(%dma_wait3A_71 : memref<10240x128xf32, #tpu.memory_space<vmem_shared>>)
        tpu.yield
      }) : () -> ()
      %lt3A = arith.constant 61 : i32
      %lt3A_56 = arith.cmpi slt, %scan3A_31, %lt3A : i32
      %convert_element_type3A = arith.extui %lt3A_56 : i1 to i32
      %cond3A = arith.constant 0 : i32
      %cond3A_57 = arith.cmpi ne, %convert_element_type3A, %cond3A : i32
      scf.if %cond3A_57 {
        %add3A_59 = arith.constant 3 : i32
        %add3A_60 = arith.addi %mul3A_34, %add3A_59 : i32
        %mul3A_61 = arith.constant 80 : i32
        %mul3A_62 = arith.muli %add3A_60, %mul3A_61 : i32
        %multiple_of3A_63 = tpu.assume_multiple %mul3A_62, 8 : i32
        %dma_start3A_64 = tpu.memref_slice %arg7[%multiple_of3A_63] : memref<10000xi32, #tpu.memory_space<vmem>> -> memref<80xi32, #tpu.memory_space<vmem>>
        %dma_start3A_65 = arith.constant 0 : i32
        %dma_start3A_66 = arith.constant 0 : i32
        %dma_start3A_67 = tpu.memref_slice %arg2[%dma_start3A_65, %dma_start3A_66] : memref<10000x128xf32, #tpu.memory_space<hbm>> -> memref<10000x128xf32, #tpu.memory_space<hbm>>
        tpu.enqueue_indirect_dma source(%dma_start3A_67 : memref<10000x128xf32, #tpu.memory_space<hbm>>) target(%arg10 : memref<80x128xf32, #tpu.memory_space<vmem>>) offsets(%dma_start3A_64 : memref<80xi32, #tpu.memory_space<vmem>>) semaphore(%arg13 : memref<!tpu.dma_semaphore, #tpu.memory_space<semaphore_mem>>)
      } else {
      }
      %scan3A_58 = arith.constant 0 : i32
      scf.yield %scan3A_58 : i32
    }
    %scan3A_22 = arith.constant 62 : i32
    %dma_wait3A = arith.constant 0 : i32
    %dma_wait3A_23 = tpu.memref_slice %arg7[%dma_wait3A] : memref<10000xi32, #tpu.memory_space<vmem>> -> memref<80xi32, #tpu.memory_space<vmem>>
    %dma_wait3A_24 = arith.constant 0 : i32
    %dma_wait3A_25 = arith.constant 0 : i32
    %dma_wait3A_26 = tpu.memref_slice %arg2[%dma_wait3A_24, %dma_wait3A_25] : memref<10000x128xf32, #tpu.memory_space<hbm>> -> memref<10000x128xf32, #tpu.memory_space<hbm>>
    tpu.wait_indirect_dma semaphore(%arg12 : memref<!tpu.dma_semaphore, #tpu.memory_space<semaphore_mem>>) src(%dma_wait3A_26 : memref<10000x128xf32, #tpu.memory_space<hbm>>) dst(%arg9 : memref<80x128xf32, #tpu.memory_space<vmem>>)
    %run_scoped3A = arith.constant 124 : i32
    "tpu.region"() ({
      %run_scoped3A_31 = tpu.sem_alloc : memref<!tpu.dma_semaphore, #tpu.memory_space<semaphore_mem>>
      %dma_start3A_32 = arith.constant 0 : i32
      %dma_start3A_33 = tpu.memref_slice %arg8[%run_scoped3A, %dma_start3A_32] : memref<125x80xi32, #tpu.memory_space<vmem>> -> memref<1x80xi32, #tpu.memory_space<vmem>>
      %dma_start3A_34 = tpu.memref_squeeze %dma_start3A_33 : memref<1x80xi32, #tpu.memory_space<vmem>> -> memref<80xi32, #tpu.memory_space<vmem>>
      %dma_start3A_35 = arith.constant 0 : i32
      %dma_start3A_36 = arith.constant 0 : i32
      %dma_start3A_37 = tpu.memref_slice %arg11[%dma_start3A_35, %dma_start3A_36] : memref<10240x128xf32, #tpu.memory_space<vmem_shared>> -> memref<10240x128xf32, #tpu.memory_space<vmem_shared>>
      tpu.enqueue_indirect_dma source(%arg9 : memref<80x128xf32, #tpu.memory_space<vmem>>) target(%dma_start3A_37 : memref<10240x128xf32, #tpu.memory_space<vmem_shared>>) offsets(%dma_start3A_34 : memref<80xi32, #tpu.memory_space<vmem>>) semaphore(%run_scoped3A_31 : memref<!tpu.dma_semaphore, #tpu.memory_space<semaphore_mem>>) {add = true}
      %dma_wait3A_38 = arith.constant 0 : i32
      %dma_wait3A_39 = tpu.memref_slice %arg8[%run_scoped3A, %dma_wait3A_38] : memref<125x80xi32, #tpu.memory_space<vmem>> -> memref<1x80xi32, #tpu.memory_space<vmem>>
      %dma_wait3A_40 = tpu.memref_squeeze %dma_wait3A_39 : memref<1x80xi32, #tpu.memory_space<vmem>> -> memref<80xi32, #tpu.memory_space<vmem>>
      %dma_wait3A_41 = arith.constant 0 : i32
      %dma_wait3A_42 = arith.constant 0 : i32
      %dma_wait3A_43 = tpu.memref_slice %arg11[%dma_wait3A_41, %dma_wait3A_42] : memref<10240x128xf32, #tpu.memory_space<vmem_shared>> -> memref<10240x128xf32, #tpu.memory_space<vmem_shared>>
      tpu.wait_indirect_dma semaphore(%run_scoped3A_31 : memref<!tpu.dma_semaphore, #tpu.memory_space<semaphore_mem>>) src(%arg9 : memref<80x128xf32, #tpu.memory_space<vmem>>) dst(%dma_wait3A_43 : memref<10240x128xf32, #tpu.memory_space<vmem_shared>>)
      tpu.yield
    }) : () -> ()
    %barrier3A_27 = arith.constant 0 : index
    tpu.barrier barrier_id(%barrier3A_27)
    %mul3A_28 = arith.constant 640 : i32
    %mul3A_29 = arith.muli %arg1, %mul3A_28 : i32
    %multiple_of3A_30 = tpu.assume_multiple %mul3A_29, 8 : i32
    "tpu.region"() ({
      %run_scoped3A_31 = tpu.sem_alloc : memref<!tpu.dma_semaphore, #tpu.memory_space<semaphore_mem>>
      %dma_start3A_32 = arith.constant 0 : i32
      %dma_start3A_33 = arith.constant 0 : i32
      %dma_start3A_34 = tpu.memref_slice %arg6[%arg0, %dma_start3A_32, %dma_start3A_33] : memref<2x10240x128xf32, #tpu.memory_space<hbm>> -> memref<1x10240x128xf32, #tpu.memory_space<hbm>>
      %dma_start3A_35 = tpu.memref_squeeze %dma_start3A_34 : memref<1x10240x128xf32, #tpu.memory_space<hbm>> -> memref<10240x128xf32, #tpu.memory_space<hbm>>
      %dma_start3A_36 = arith.constant 0 : i32
      %dma_start3A_37 = tpu.memref_slice %dma_start3A_35[%multiple_of3A_30, %dma_start3A_36] : memref<10240x128xf32, #tpu.memory_space<hbm>> -> memref<640x128xf32, #tpu.memory_space<hbm>>
      %dma_start3A_38 = arith.constant 0 : i32
      %dma_start3A_39 = tpu.memref_slice %arg11[%multiple_of3A_30, %dma_start3A_38] : memref<10240x128xf32, #tpu.memory_space<vmem_shared>> -> memref<640x128xf32, #tpu.memory_space<vmem_shared>>
      tpu.enqueue_dma source(%dma_start3A_39 : memref<640x128xf32, #tpu.memory_space<vmem_shared>>) target(%dma_start3A_37 : memref<640x128xf32, #tpu.memory_space<hbm>>) target_semaphore(%run_scoped3A_31 : memref<!tpu.dma_semaphore, #tpu.memory_space<semaphore_mem>>)
      %dma_wait3A_40 = arith.constant 0 : i32
      %dma_wait3A_41 = arith.constant 0 : i32
      %dma_wait3A_42 = tpu.memref_slice %arg6[%arg0, %dma_wait3A_40, %dma_wait3A_41] : memref<2x10240x128xf32, #tpu.memory_space<hbm>> -> memref<1x10240x128xf32, #tpu.memory_space<hbm>>
      %dma_wait3A_43 = tpu.memref_squeeze %dma_wait3A_42 : memref<1x10240x128xf32, #tpu.memory_space<hbm>> -> memref<10240x128xf32, #tpu.memory_space<hbm>>
      %dma_wait3A_44 = arith.constant 0 : i32
      %dma_wait3A_45 = tpu.memref_slice %dma_wait3A_43[%multiple_of3A_30, %dma_wait3A_44] : memref<10240x128xf32, #tpu.memory_space<hbm>> -> memref<640x128xf32, #tpu.memory_space<hbm>>
      %dma_wait3A_46 = arith.constant 0 : i32
      %dma_wait3A_47 = tpu.memref_slice %arg11[%multiple_of3A_30, %dma_wait3A_46] : memref<10240x128xf32, #tpu.memory_space<vmem_shared>> -> memref<640x128xf32, #tpu.memory_space<vmem_shared>>
      tpu.wait_dma2 semaphore(%run_scoped3A_31 : memref<!tpu.dma_semaphore, #tpu.memory_space<semaphore_mem>>) src(%dma_wait3A_47 : memref<640x128xf32, #tpu.memory_space<vmem_shared>>) dst(%dma_wait3A_45 : memref<640x128xf32, #tpu.memory_space<hbm>>)
      tpu.yield
    }) : () -> ()
    return
  }
}

#map = affine_map<(d0, d1) -> (0, 0)>
#map1 = affine_map<(d0, d1) -> (0)>
#map2 = affine_map<(d0, d1) -> (0, 0, 0)>
module attributes {stable_mosaic.version = 14 : i64} {
  func.func @_edge_body(%arg0: i32, %arg1: i32, %arg2: memref<10000x128xf32, #tpu.memory_space<hbm>>, %arg3: memref<320000xi32, #tpu.memory_space<hbm>>, %arg4: memref<32x125x80xi32, #tpu.memory_space<hbm>>, %arg5: memref<10240x128xf32, #tpu.memory_space<hbm>>, %arg6: memref<2x10240x128xf32, #tpu.memory_space<hbm>>, %arg7: memref<10000xi32, #tpu.memory_space<vmem>>, %arg8: memref<125x80xi32, #tpu.memory_space<vmem>>, %arg9: memref<80x128xf32, #tpu.memory_space<vmem>>, %arg10: memref<80x128xf32, #tpu.memory_space<vmem>>, %arg11: memref<10240x128xf32, #tpu.memory_space<vmem_shared>>, %arg12: memref<!tpu.dma_semaphore, #tpu.memory_space<semaphore_mem>>, %arg13: memref<!tpu.dma_semaphore, #tpu.memory_space<semaphore_mem>>) attributes {dimension_semantics = [#tpu.dimension_semantics<core_parallel>, #tpu.dimension_semantics<subcore_parallel>], iteration_bounds = array<i64: 2, 16>, scalar_prefetch = 0 : i64, scratch_operands = 7 : i64, tpu.core_type = #tpu.core_type<sc_vector_subcore>, window_params = [{transform_indices = #map}, {transform_indices = #map1}, {transform_indices = #map2}, {transform_indices = #map}, {transform_indices = #map2}]} {
    %mul3A = arith.constant 2 : i32
    %mul3A_0 = arith.muli %arg1, %mul3A : i32
    %add3A = arith.addi %mul3A_0, %arg0 : i32
    %mul3A_1 = arith.constant 10000 : i32
    %mul3A_2 = arith.muli %add3A, %mul3A_1 : i32
    %multiple_of3A = tpu.assume_multiple %mul3A_2, 8 : i32
    "tpu.region"() ({
      %run_scoped3A_31 = tpu.sem_alloc : memref<!tpu.dma_semaphore, #tpu.memory_space<semaphore_mem>>
      %dma_start3A_32 = tpu.memref_slice %arg3[%multiple_of3A] : memref<320000xi32, #tpu.memory_space<hbm>> -> memref<10000xi32, #tpu.memory_space<hbm>>
      %dma_start3A_33 = tpu.memref_slice %arg3[%multiple_of3A] : memref<320000xi32, #tpu.memory_space<hbm>> -> memref<10000xi32, #tpu.memory_space<hbm>>
      tpu.enqueue_dma source(%dma_start3A_33 : memref<10000xi32, #tpu.memory_space<hbm>>) target(%arg7 : memref<10000xi32, #tpu.memory_space<vmem>>) target_semaphore(%run_scoped3A_31 : memref<!tpu.dma_semaphore, #tpu.memory_space<semaphore_mem>>)
      %dma_wait3A_34 = tpu.memref_slice %arg3[%multiple_of3A] : memref<320000xi32, #tpu.memory_space<hbm>> -> memref<10000xi32, #tpu.memory_space<hbm>>
      %dma_wait3A_35 = tpu.memref_slice %arg3[%multiple_of3A] : memref<320000xi32, #tpu.memory_space<hbm>> -> memref<10000xi32, #tpu.memory_space<hbm>>
      tpu.wait_dma2 semaphore(%run_scoped3A_31 : memref<!tpu.dma_semaphore, #tpu.memory_space<semaphore_mem>>) src(%dma_wait3A_35 : memref<10000xi32, #tpu.memory_space<hbm>>) dst(%arg7 : memref<10000xi32, #tpu.memory_space<vmem>>)
      tpu.yield
    }) : () -> ()
    "tpu.region"() ({
      %run_scoped3A_31 = tpu.sem_alloc : memref<!tpu.dma_semaphore, #tpu.memory_space<semaphore_mem>>
      %dma_start3A_32 = arith.constant 0 : i32
      %dma_start3A_33 = arith.constant 0 : i32
      %dma_start3A_34 = tpu.memref_slice %arg4[%add3A, %dma_start3A_32, %dma_start3A_33] : memref<32x125x80xi32, #tpu.memory_space<hbm>> -> memref<1x125x80xi32, #tpu.memory_space<hbm>>
      %dma_start3A_35 = tpu.memref_squeeze %dma_start3A_34 : memref<1x125x80xi32, #tpu.memory_space<hbm>> -> memref<125x80xi32, #tpu.memory_space<hbm>>
      %dma_start3A_36 = arith.constant 0 : i32
      %dma_start3A_37 = arith.constant 0 : i32
      %dma_start3A_38 = tpu.memref_slice %arg4[%add3A, %dma_start3A_36, %dma_start3A_37] : memref<32x125x80xi32, #tpu.memory_space<hbm>> -> memref<1x125x80xi32, #tpu.memory_space<hbm>>
      %dma_start3A_39 = tpu.memref_squeeze %dma_start3A_38 : memref<1x125x80xi32, #tpu.memory_space<hbm>> -> memref<125x80xi32, #tpu.memory_space<hbm>>
      tpu.enqueue_dma source(%dma_start3A_39 : memref<125x80xi32, #tpu.memory_space<hbm>>) target(%arg8 : memref<125x80xi32, #tpu.memory_space<vmem>>) target_semaphore(%run_scoped3A_31 : memref<!tpu.dma_semaphore, #tpu.memory_space<semaphore_mem>>)
      %dma_wait3A_40 = arith.constant 0 : i32
      %dma_wait3A_41 = arith.constant 0 : i32
      %dma_wait3A_42 = tpu.memref_slice %arg4[%add3A, %dma_wait3A_40, %dma_wait3A_41] : memref<32x125x80xi32, #tpu.memory_space<hbm>> -> memref<1x125x80xi32, #tpu.memory_space<hbm>>
      %dma_wait3A_43 = tpu.memref_squeeze %dma_wait3A_42 : memref<1x125x80xi32, #tpu.memory_space<hbm>> -> memref<125x80xi32, #tpu.memory_space<hbm>>
      %dma_wait3A_44 = arith.constant 0 : i32
      %dma_wait3A_45 = arith.constant 0 : i32
      %dma_wait3A_46 = tpu.memref_slice %arg4[%add3A, %dma_wait3A_44, %dma_wait3A_45] : memref<32x125x80xi32, #tpu.memory_space<hbm>> -> memref<1x125x80xi32, #tpu.memory_space<hbm>>
      %dma_wait3A_47 = tpu.memref_squeeze %dma_wait3A_46 : memref<1x125x80xi32, #tpu.memory_space<hbm>> -> memref<125x80xi32, #tpu.memory_space<hbm>>
      tpu.wait_dma2 semaphore(%run_scoped3A_31 : memref<!tpu.dma_semaphore, #tpu.memory_space<semaphore_mem>>) src(%dma_wait3A_47 : memref<125x80xi32, #tpu.memory_space<hbm>>) dst(%arg8 : memref<125x80xi32, #tpu.memory_space<vmem>>)
      tpu.yield
    }) : () -> ()
    %multiple_of3A_3 = arith.constant 0 : i32
    %multiple_of3A_4 = tpu.assume_multiple %multiple_of3A_3, 8 : i32
    %dma_start3A = tpu.memref_slice %arg7[%multiple_of3A_4] : memref<10000xi32, #tpu.memory_space<vmem>> -> memref<80xi32, #tpu.memory_space<vmem>>
    %dma_start3A_5 = arith.constant 0 : i32
    %dma_start3A_6 = arith.constant 0 : i32
    %dma_start3A_7 = tpu.memref_slice %arg2[%dma_start3A_5, %dma_start3A_6] : memref<10000x128xf32, #tpu.memory_space<hbm>> -> memref<10000x128xf32, #tpu.memory_space<hbm>>
    tpu.enqueue_indirect_dma source(%dma_start3A_7 : memref<10000x128xf32, #tpu.memory_space<hbm>>) target(%arg9 : memref<80x128xf32, #tpu.memory_space<vmem>>) offsets(%dma_start3A : memref<80xi32, #tpu.memory_space<vmem>>) semaphore(%arg12 : memref<!tpu.dma_semaphore, #tpu.memory_space<semaphore_mem>>)
    %multiple_of3A_8 = arith.constant 80 : i32
    %multiple_of3A_9 = tpu.assume_multiple %multiple_of3A_8, 8 : i32
    %dma_start3A_10 = tpu.memref_slice %arg7[%multiple_of3A_9] : memref<10000xi32, #tpu.memory_space<vmem>> -> memref<80xi32, #tpu.memory_space<vmem>>
    %dma_start3A_11 = arith.constant 0 : i32
    %dma_start3A_12 = arith.constant 0 : i32
    %dma_start3A_13 = tpu.memref_slice %arg2[%dma_start3A_11, %dma_start3A_12] : memref<10000x128xf32, #tpu.memory_space<hbm>> -> memref<10000x128xf32, #tpu.memory_space<hbm>>
    tpu.enqueue_indirect_dma source(%dma_start3A_13 : memref<10000x128xf32, #tpu.memory_space<hbm>>) target(%arg10 : memref<80x128xf32, #tpu.memory_space<vmem>>) offsets(%dma_start3A_10 : memref<80xi32, #tpu.memory_space<vmem>>) semaphore(%arg13 : memref<!tpu.dma_semaphore, #tpu.memory_space<semaphore_mem>>)
    %mul3A_14 = arith.constant 640 : i32
    %mul3A_15 = arith.muli %arg1, %mul3A_14 : i32
    %multiple_of3A_16 = tpu.assume_multiple %mul3A_15, 8 : i32
    "tpu.region"() ({
      %run_scoped3A_31 = tpu.sem_alloc : memref<!tpu.dma_semaphore, #tpu.memory_space<semaphore_mem>>
      %dma_start3A_32 = arith.constant 0 : i32
      %dma_start3A_33 = tpu.memref_slice %arg11[%multiple_of3A_16, %dma_start3A_32] : memref<10240x128xf32, #tpu.memory_space<vmem_shared>> -> memref<640x128xf32, #tpu.memory_space<vmem_shared>>
      %dma_start3A_34 = arith.constant 0 : i32
      %dma_start3A_35 = tpu.memref_slice %arg5[%multiple_of3A_16, %dma_start3A_34] : memref<10240x128xf32, #tpu.memory_space<hbm>> -> memref<640x128xf32, #tpu.memory_space<hbm>>
      tpu.enqueue_dma source(%dma_start3A_35 : memref<640x128xf32, #tpu.memory_space<hbm>>) target(%dma_start3A_33 : memref<640x128xf32, #tpu.memory_space<vmem_shared>>) target_semaphore(%run_scoped3A_31 : memref<!tpu.dma_semaphore, #tpu.memory_space<semaphore_mem>>)
      %dma_wait3A_36 = arith.constant 0 : i32
      %dma_wait3A_37 = tpu.memref_slice %arg11[%multiple_of3A_16, %dma_wait3A_36] : memref<10240x128xf32, #tpu.memory_space<vmem_shared>> -> memref<640x128xf32, #tpu.memory_space<vmem_shared>>
      %dma_wait3A_38 = arith.constant 0 : i32
      %dma_wait3A_39 = tpu.memref_slice %arg5[%multiple_of3A_16, %dma_wait3A_38] : memref<10240x128xf32, #tpu.memory_space<hbm>> -> memref<640x128xf32, #tpu.memory_space<hbm>>
      tpu.wait_dma2 semaphore(%run_scoped3A_31 : memref<!tpu.dma_semaphore, #tpu.memory_space<semaphore_mem>>) src(%dma_wait3A_39 : memref<640x128xf32, #tpu.memory_space<hbm>>) dst(%dma_wait3A_37 : memref<640x128xf32, #tpu.memory_space<vmem_shared>>)
      tpu.yield
    }) : () -> ()
    %barrier3A = arith.constant 0 : index
    tpu.barrier barrier_id(%barrier3A)
    %scan3A = arith.constant 0 : i32
    %scan3A_17 = arith.constant 0 : i32
    %scan3A_18 = arith.constant 62 : i32
    %scan3A_19 = arith.addi %scan3A_17, %scan3A_18 : i32
    %scan3A_20 = arith.constant 1 : i32
    %scan3A_21 = scf.for %scan3A_31 = %scan3A_17 to %scan3A_19 step %scan3A_20 iter_args(%scan3A_32 = %scan3A) -> (i32)  : i32 {
      %mul3A_33 = arith.constant 2 : i32
      %mul3A_34 = arith.muli %scan3A_31, %mul3A_33 : i32
      %dma_wait3A_35 = arith.constant 0 : i32
      %dma_wait3A_36 = tpu.memref_slice %arg7[%dma_wait3A_35] : memref<10000xi32, #tpu.memory_space<vmem>> -> memref<80xi32, #tpu.memory_space<vmem>>
      %dma_wait3A_37 = arith.constant 0 : i32
      %dma_wait3A_38 = arith.constant 0 : i32
      %dma_wait3A_39 = tpu.memref_slice %arg2[%dma_wait3A_37, %dma_wait3A_38] : memref<10000x128xf32, #tpu.memory_space<hbm>> -> memref<10000x128xf32, #tpu.memory_space<hbm>>
      tpu.wait_indirect_dma semaphore(%arg12 : memref<!tpu.dma_semaphore, #tpu.memory_space<semaphore_mem>>) src(%dma_wait3A_39 : memref<10000x128xf32, #tpu.memory_space<hbm>>) dst(%arg9 : memref<80x128xf32, #tpu.memory_space<vmem>>)
      "tpu.region"() ({
        %run_scoped3A_59 = tpu.sem_alloc : memref<!tpu.dma_semaphore, #tpu.memory_space<semaphore_mem>>
        %dma_start3A_60 = arith.constant 0 : i32
        %dma_start3A_61 = tpu.memref_slice %arg8[%mul3A_34, %dma_start3A_60] : memref<125x80xi32, #tpu.memory_space<vmem>> -> memref<1x80xi32, #tpu.memory_space<vmem>>
        %dma_start3A_62 = tpu.memref_squeeze %dma_start3A_61 : memref<1x80xi32, #tpu.memory_space<vmem>> -> memref<80xi32, #tpu.memory_space<vmem>>
        %dma_start3A_63 = arith.constant 0 : i32
        %dma_start3A_64 = arith.constant 0 : i32
        %dma_start3A_65 = tpu.memref_slice %arg11[%dma_start3A_63, %dma_start3A_64] : memref<10240x128xf32, #tpu.memory_space<vmem_shared>> -> memref<10240x128xf32, #tpu.memory_space<vmem_shared>>
        tpu.enqueue_indirect_dma source(%arg9 : memref<80x128xf32, #tpu.memory_space<vmem>>) target(%dma_start3A_65 : memref<10240x128xf32, #tpu.memory_space<vmem_shared>>) offsets(%dma_start3A_62 : memref<80xi32, #tpu.memory_space<vmem>>) semaphore(%run_scoped3A_59 : memref<!tpu.dma_semaphore, #tpu.memory_space<semaphore_mem>>) {add = true}
        %dma_wait3A_66 = arith.constant 0 : i32
        %dma_wait3A_67 = tpu.memref_slice %arg8[%mul3A_34, %dma_wait3A_66] : memref<125x80xi32, #tpu.memory_space<vmem>> -> memref<1x80xi32, #tpu.memory_space<vmem>>
        %dma_wait3A_68 = tpu.memref_squeeze %dma_wait3A_67 : memref<1x80xi32, #tpu.memory_space<vmem>> -> memref<80xi32, #tpu.memory_space<vmem>>
        %dma_wait3A_69 = arith.constant 0 : i32
        %dma_wait3A_70 = arith.constant 0 : i32
        %dma_wait3A_71 = tpu.memref_slice %arg11[%dma_wait3A_69, %dma_wait3A_70] : memref<10240x128xf32, #tpu.memory_space<vmem_shared>> -> memref<10240x128xf32, #tpu.memory_space<vmem_shared>>
        tpu.wait_indirect_dma semaphore(%run_scoped3A_59 : memref<!tpu.dma_semaphore, #tpu.memory_space<semaphore_mem>>) src(%arg9 : memref<80x128xf32, #tpu.memory_space<vmem>>) dst(%dma_wait3A_71 : memref<10240x128xf32, #tpu.memory_space<vmem_shared>>)
        tpu.yield
      }) : () -> ()
      %add3A_40 = arith.constant 2 : i32
      %add3A_41 = arith.addi %mul3A_34, %add3A_40 : i32
      %mul3A_42 = arith.constant 80 : i32
      %mul3A_43 = arith.muli %add3A_41, %mul3A_42 : i32
      %multiple_of3A_44 = tpu.assume_multiple %mul3A_43, 8 : i32
      %dma_start3A_45 = tpu.memref_slice %arg7[%multiple_of3A_44] : memref<10000xi32, #tpu.memory_space<vmem>> -> memref<80xi32, #tpu.memory_space<vmem>>
      %dma_start3A_46 = arith.constant 0 : i32
      %dma_start3A_47 = arith.constant 0 : i32
      %dma_start3A_48 = tpu.memref_slice %arg2[%dma_start3A_46, %dma_start3A_47] : memref<10000x128xf32, #tpu.memory_space<hbm>> -> memref<10000x128xf32, #tpu.memory_space<hbm>>
      tpu.enqueue_indirect_dma source(%dma_start3A_48 : memref<10000x128xf32, #tpu.memory_space<hbm>>) target(%arg9 : memref<80x128xf32, #tpu.memory_space<vmem>>) offsets(%dma_start3A_45 : memref<80xi32, #tpu.memory_space<vmem>>) semaphore(%arg12 : memref<!tpu.dma_semaphore, #tpu.memory_space<semaphore_mem>>)
      %dma_wait3A_49 = arith.constant 0 : i32
      %dma_wait3A_50 = tpu.memref_slice %arg7[%dma_wait3A_49] : memref<10000xi32, #tpu.memory_space<vmem>> -> memref<80xi32, #tpu.memory_space<vmem>>
      %dma_wait3A_51 = arith.constant 0 : i32
      %dma_wait3A_52 = arith.constant 0 : i32
      %dma_wait3A_53 = tpu.memref_slice %arg2[%dma_wait3A_51, %dma_wait3A_52] : memref<10000x128xf32, #tpu.memory_space<hbm>> -> memref<10000x128xf32, #tpu.memory_space<hbm>>
      tpu.wait_indirect_dma semaphore(%arg13 : memref<!tpu.dma_semaphore, #tpu.memory_space<semaphore_mem>>) src(%dma_wait3A_53 : memref<10000x128xf32, #tpu.memory_space<hbm>>) dst(%arg10 : memref<80x128xf32, #tpu.memory_space<vmem>>)
      %add3A_54 = arith.constant 1 : i32
      %add3A_55 = arith.addi %mul3A_34, %add3A_54 : i32
      "tpu.region"() ({
        %run_scoped3A_59 = tpu.sem_alloc : memref<!tpu.dma_semaphore, #tpu.memory_space<semaphore_mem>>
        %dma_start3A_60 = arith.constant 0 : i32
        %dma_start3A_61 = tpu.memref_slice %arg8[%add3A_55, %dma_start3A_60] : memref<125x80xi32, #tpu.memory_space<vmem>> -> memref<1x80xi32, #tpu.memory_space<vmem>>
        %dma_start3A_62 = tpu.memref_squeeze %dma_start3A_61 : memref<1x80xi32, #tpu.memory_space<vmem>> -> memref<80xi32, #tpu.memory_space<vmem>>
        %dma_start3A_63 = arith.constant 0 : i32
        %dma_start3A_64 = arith.constant 0 : i32
        %dma_start3A_65 = tpu.memref_slice %arg11[%dma_start3A_63, %dma_start3A_64] : memref<10240x128xf32, #tpu.memory_space<vmem_shared>> -> memref<10240x128xf32, #tpu.memory_space<vmem_shared>>
        tpu.enqueue_indirect_dma source(%arg10 : memref<80x128xf32, #tpu.memory_space<vmem>>) target(%dma_start3A_65 : memref<10240x128xf32, #tpu.memory_space<vmem_shared>>) offsets(%dma_start3A_62 : memref<80xi32, #tpu.memory_space<vmem>>) semaphore(%run_scoped3A_59 : memref<!tpu.dma_semaphore, #tpu.memory_space<semaphore_mem>>) {add = true}
        %dma_wait3A_66 = arith.constant 0 : i32
        %dma_wait3A_67 = tpu.memref_slice %arg8[%add3A_55, %dma_wait3A_66] : memref<125x80xi32, #tpu.memory_space<vmem>> -> memref<1x80xi32, #tpu.memory_space<vmem>>
        %dma_wait3A_68 = tpu.memref_squeeze %dma_wait3A_67 : memref<1x80xi32, #tpu.memory_space<vmem>> -> memref<80xi32, #tpu.memory_space<vmem>>
        %dma_wait3A_69 = arith.constant 0 : i32
        %dma_wait3A_70 = arith.constant 0 : i32
        %dma_wait3A_71 = tpu.memref_slice %arg11[%dma_wait3A_69, %dma_wait3A_70] : memref<10240x128xf32, #tpu.memory_space<vmem_shared>> -> memref<10240x128xf32, #tpu.memory_space<vmem_shared>>
        tpu.wait_indirect_dma semaphore(%run_scoped3A_59 : memref<!tpu.dma_semaphore, #tpu.memory_space<semaphore_mem>>) src(%arg10 : memref<80x128xf32, #tpu.memory_space<vmem>>) dst(%dma_wait3A_71 : memref<10240x128xf32, #tpu.memory_space<vmem_shared>>)
        tpu.yield
      }) : () -> ()
      %lt3A = arith.constant 61 : i32
      %lt3A_56 = arith.cmpi slt, %scan3A_31, %lt3A : i32
      %convert_element_type3A = arith.extui %lt3A_56 : i1 to i32
      %cond3A = arith.constant 0 : i32
      %cond3A_57 = arith.cmpi ne, %convert_element_type3A, %cond3A : i32
      scf.if %cond3A_57 {
        %add3A_59 = arith.constant 3 : i32
        %add3A_60 = arith.addi %mul3A_34, %add3A_59 : i32
        %mul3A_61 = arith.constant 80 : i32
        %mul3A_62 = arith.muli %add3A_60, %mul3A_61 : i32
        %multiple_of3A_63 = tpu.assume_multiple %mul3A_62, 8 : i32
        %dma_start3A_64 = tpu.memref_slice %arg7[%multiple_of3A_63] : memref<10000xi32, #tpu.memory_space<vmem>> -> memref<80xi32, #tpu.memory_space<vmem>>
        %dma_start3A_65 = arith.constant 0 : i32
        %dma_start3A_66 = arith.constant 0 : i32
        %dma_start3A_67 = tpu.memref_slice %arg2[%dma_start3A_65, %dma_start3A_66] : memref<10000x128xf32, #tpu.memory_space<hbm>> -> memref<10000x128xf32, #tpu.memory_space<hbm>>
        tpu.enqueue_indirect_dma source(%dma_start3A_67 : memref<10000x128xf32, #tpu.memory_space<hbm>>) target(%arg10 : memref<80x128xf32, #tpu.memory_space<vmem>>) offsets(%dma_start3A_64 : memref<80xi32, #tpu.memory_space<vmem>>) semaphore(%arg13 : memref<!tpu.dma_semaphore, #tpu.memory_space<semaphore_mem>>)
      } else {
      }
      %scan3A_58 = arith.constant 0 : i32
      scf.yield %scan3A_58 : i32
    }
    %scan3A_22 = arith.constant 62 : i32
    %dma_wait3A = arith.constant 0 : i32
    %dma_wait3A_23 = tpu.memref_slice %arg7[%dma_wait3A] : memref<10000xi32, #tpu.memory_space<vmem>> -> memref<80xi32, #tpu.memory_space<vmem>>
    %dma_wait3A_24 = arith.constant 0 : i32
    %dma_wait3A_25 = arith.constant 0 : i32
    %dma_wait3A_26 = tpu.memref_slice %arg2[%dma_wait3A_24, %dma_wait3A_25] : memref<10000x128xf32, #tpu.memory_space<hbm>> -> memref<10000x128xf32, #tpu.memory_space<hbm>>
    tpu.wait_indirect_dma semaphore(%arg12 : memref<!tpu.dma_semaphore, #tpu.memory_space<semaphore_mem>>) src(%dma_wait3A_26 : memref<10000x128xf32, #tpu.memory_space<hbm>>) dst(%arg9 : memref<80x128xf32, #tpu.memory_space<vmem>>)
    %run_scoped3A = arith.constant 124 : i32
    "tpu.region"() ({
      %run_scoped3A_31 = tpu.sem_alloc : memref<!tpu.dma_semaphore, #tpu.memory_space<semaphore_mem>>
      %dma_start3A_32 = arith.constant 0 : i32
      %dma_start3A_33 = tpu.memref_slice %arg8[%run_scoped3A, %dma_start3A_32] : memref<125x80xi32, #tpu.memory_space<vmem>> -> memref<1x80xi32, #tpu.memory_space<vmem>>
      %dma_start3A_34 = tpu.memref_squeeze %dma_start3A_33 : memref<1x80xi32, #tpu.memory_space<vmem>> -> memref<80xi32, #tpu.memory_space<vmem>>
      %dma_start3A_35 = arith.constant 0 : i32
      %dma_start3A_36 = arith.constant 0 : i32
      %dma_start3A_37 = tpu.memref_slice %arg11[%dma_start3A_35, %dma_start3A_36] : memref<10240x128xf32, #tpu.memory_space<vmem_shared>> -> memref<10240x128xf32, #tpu.memory_space<vmem_shared>>
      tpu.enqueue_indirect_dma source(%arg9 : memref<80x128xf32, #tpu.memory_space<vmem>>) target(%dma_start3A_37 : memref<10240x128xf32, #tpu.memory_space<vmem_shared>>) offsets(%dma_start3A_34 : memref<80xi32, #tpu.memory_space<vmem>>) semaphore(%run_scoped3A_31 : memref<!tpu.dma_semaphore, #tpu.memory_space<semaphore_mem>>) {add = true}
      %dma_wait3A_38 = arith.constant 0 : i32
      %dma_wait3A_39 = tpu.memref_slice %arg8[%run_scoped3A, %dma_wait3A_38] : memref<125x80xi32, #tpu.memory_space<vmem>> -> memref<1x80xi32, #tpu.memory_space<vmem>>
      %dma_wait3A_40 = tpu.memref_squeeze %dma_wait3A_39 : memref<1x80xi32, #tpu.memory_space<vmem>> -> memref<80xi32, #tpu.memory_space<vmem>>
      %dma_wait3A_41 = arith.constant 0 : i32
      %dma_wait3A_42 = arith.constant 0 : i32
      %dma_wait3A_43 = tpu.memref_slice %arg11[%dma_wait3A_41, %dma_wait3A_42] : memref<10240x128xf32, #tpu.memory_space<vmem_shared>> -> memref<10240x128xf32, #tpu.memory_space<vmem_shared>>
      tpu.wait_indirect_dma semaphore(%run_scoped3A_31 : memref<!tpu.dma_semaphore, #tpu.memory_space<semaphore_mem>>) src(%arg9 : memref<80x128xf32, #tpu.memory_space<vmem>>) dst(%dma_wait3A_43 : memref<10240x128xf32, #tpu.memory_space<vmem_shared>>)
      tpu.yield
    }) : () -> ()
    %barrier3A_27 = arith.constant 0 : index
    tpu.barrier barrier_id(%barrier3A_27)
    %mul3A_28 = arith.constant 640 : i32
    %mul3A_29 = arith.muli %arg1, %mul3A_28 : i32
    %multiple_of3A_30 = tpu.assume_multiple %mul3A_29, 8 : i32
    "tpu.region"() ({
      %run_scoped3A_31 = tpu.sem_alloc : memref<!tpu.dma_semaphore, #tpu.memory_space<semaphore_mem>>
      %dma_start3A_32 = arith.constant 0 : i32
      %dma_start3A_33 = arith.constant 0 : i32
      %dma_start3A_34 = tpu.memref_slice %arg6[%arg0, %dma_start3A_32, %dma_start3A_33] : memref<2x10240x128xf32, #tpu.memory_space<hbm>> -> memref<1x10240x128xf32, #tpu.memory_space<hbm>>
      %dma_start3A_35 = tpu.memref_squeeze %dma_start3A_34 : memref<1x10240x128xf32, #tpu.memory_space<hbm>> -> memref<10240x128xf32, #tpu.memory_space<hbm>>
      %dma_start3A_36 = arith.constant 0 : i32
      %dma_start3A_37 = tpu.memref_slice %dma_start3A_35[%multiple_of3A_30, %dma_start3A_36] : memref<10240x128xf32, #tpu.memory_space<hbm>> -> memref<640x128xf32, #tpu.memory_space<hbm>>
      %dma_start3A_38 = arith.constant 0 : i32
      %dma_start3A_39 = tpu.memref_slice %arg11[%multiple_of3A_30, %dma_start3A_38] : memref<10240x128xf32, #tpu.memory_space<vmem_shared>> -> memref<640x128xf32, #tpu.memory_space<vmem_shared>>
      tpu.enqueue_dma source(%dma_start3A_39 : memref<640x128xf32, #tpu.memory_space<vmem_shared>>) target(%dma_start3A_37 : memref<640x128xf32, #tpu.memory_space<hbm>>) target_semaphore(%run_scoped3A_31 : memref<!tpu.dma_semaphore, #tpu.memory_space<semaphore_mem>>)
      %dma_wait3A_40 = arith.constant 0 : i32
      %dma_wait3A_41 = arith.constant 0 : i32
      %dma_wait3A_42 = tpu.memref_slice %arg6[%arg0, %dma_wait3A_40, %dma_wait3A_41] : memref<2x10240x128xf32, #tpu.memory_space<hbm>> -> memref<1x10240x128xf32, #tpu.memory_space<hbm>>
      %dma_wait3A_43 = tpu.memref_squeeze %dma_wait3A_42 : memref<1x10240x128xf32, #tpu.memory_space<hbm>> -> memref<10240x128xf32, #tpu.memory_space<hbm>>
      %dma_wait3A_44 = arith.constant 0 : i32
      %dma_wait3A_45 = tpu.memref_slice %dma_wait3A_43[%multiple_of3A_30, %dma_wait3A_44] : memref<10240x128xf32, #tpu.memory_space<hbm>> -> memref<640x128xf32, #tpu.memory_space<hbm>>
      %dma_wait3A_46 = arith.constant 0 : i32
      %dma_wait3A_47 = tpu.memref_slice %arg11[%multiple_of3A_30, %dma_wait3A_46] : memref<10240x128xf32, #tpu.memory_space<vmem_shared>> -> memref<640x128xf32, #tpu.memory_space<vmem_shared>>
      tpu.wait_dma2 semaphore(%run_scoped3A_31 : memref<!tpu.dma_semaphore, #tpu.memory_space<semaphore_mem>>) src(%dma_wait3A_47 : memref<640x128xf32, #tpu.memory_space<vmem_shared>>) dst(%dma_wait3A_45 : memref<640x128xf32, #tpu.memory_space<hbm>>)
      tpu.yield
    }) : () -> ()
    return
  }
}

#map = affine_map<(d0, d1) -> (0, 0)>
#map1 = affine_map<(d0, d1) -> (0)>
#map2 = affine_map<(d0, d1) -> (0, 0, 0)>
module attributes {stable_mosaic.version = 14 : i64} {
  func.func @_edge_body(%arg0: i32, %arg1: i32, %arg2: memref<10000x128xf32, #tpu.memory_space<hbm>>, %arg3: memref<320000xi32, #tpu.memory_space<hbm>>, %arg4: memref<32x125x80xi32, #tpu.memory_space<hbm>>, %arg5: memref<10240x128xf32, #tpu.memory_space<hbm>>, %arg6: memref<2x10240x128xf32, #tpu.memory_space<hbm>>, %arg7: memref<10000xi32, #tpu.memory_space<vmem>>, %arg8: memref<125x80xi32, #tpu.memory_space<vmem>>, %arg9: memref<80x128xf32, #tpu.memory_space<vmem>>, %arg10: memref<80x128xf32, #tpu.memory_space<vmem>>, %arg11: memref<10240x128xf32, #tpu.memory_space<vmem_shared>>, %arg12: memref<!tpu.dma_semaphore, #tpu.memory_space<semaphore_mem>>, %arg13: memref<!tpu.dma_semaphore, #tpu.memory_space<semaphore_mem>>) attributes {dimension_semantics = [#tpu.dimension_semantics<core_parallel>, #tpu.dimension_semantics<subcore_parallel>], iteration_bounds = array<i64: 2, 16>, scalar_prefetch = 0 : i64, scratch_operands = 7 : i64, tpu.core_type = #tpu.core_type<sc_vector_subcore>, window_params = [{transform_indices = #map}, {transform_indices = #map1}, {transform_indices = #map2}, {transform_indices = #map}, {transform_indices = #map2}]} {
    %mul3A = arith.constant 2 : i32
    %mul3A_0 = arith.muli %arg1, %mul3A : i32
    %add3A = arith.addi %mul3A_0, %arg0 : i32
    %mul3A_1 = arith.constant 10000 : i32
    %mul3A_2 = arith.muli %add3A, %mul3A_1 : i32
    %multiple_of3A = tpu.assume_multiple %mul3A_2, 8 : i32
    "tpu.region"() ({
      %run_scoped3A_31 = tpu.sem_alloc : memref<!tpu.dma_semaphore, #tpu.memory_space<semaphore_mem>>
      %dma_start3A_32 = tpu.memref_slice %arg3[%multiple_of3A] : memref<320000xi32, #tpu.memory_space<hbm>> -> memref<10000xi32, #tpu.memory_space<hbm>>
      %dma_start3A_33 = tpu.memref_slice %arg3[%multiple_of3A] : memref<320000xi32, #tpu.memory_space<hbm>> -> memref<10000xi32, #tpu.memory_space<hbm>>
      tpu.enqueue_dma source(%dma_start3A_33 : memref<10000xi32, #tpu.memory_space<hbm>>) target(%arg7 : memref<10000xi32, #tpu.memory_space<vmem>>) target_semaphore(%run_scoped3A_31 : memref<!tpu.dma_semaphore, #tpu.memory_space<semaphore_mem>>)
      %dma_wait3A_34 = tpu.memref_slice %arg3[%multiple_of3A] : memref<320000xi32, #tpu.memory_space<hbm>> -> memref<10000xi32, #tpu.memory_space<hbm>>
      %dma_wait3A_35 = tpu.memref_slice %arg3[%multiple_of3A] : memref<320000xi32, #tpu.memory_space<hbm>> -> memref<10000xi32, #tpu.memory_space<hbm>>
      tpu.wait_dma2 semaphore(%run_scoped3A_31 : memref<!tpu.dma_semaphore, #tpu.memory_space<semaphore_mem>>) src(%dma_wait3A_35 : memref<10000xi32, #tpu.memory_space<hbm>>) dst(%arg7 : memref<10000xi32, #tpu.memory_space<vmem>>)
      tpu.yield
    }) : () -> ()
    "tpu.region"() ({
      %run_scoped3A_31 = tpu.sem_alloc : memref<!tpu.dma_semaphore, #tpu.memory_space<semaphore_mem>>
      %dma_start3A_32 = arith.constant 0 : i32
      %dma_start3A_33 = arith.constant 0 : i32
      %dma_start3A_34 = tpu.memref_slice %arg4[%add3A, %dma_start3A_32, %dma_start3A_33] : memref<32x125x80xi32, #tpu.memory_space<hbm>> -> memref<1x125x80xi32, #tpu.memory_space<hbm>>
      %dma_start3A_35 = tpu.memref_squeeze %dma_start3A_34 : memref<1x125x80xi32, #tpu.memory_space<hbm>> -> memref<125x80xi32, #tpu.memory_space<hbm>>
      %dma_start3A_36 = arith.constant 0 : i32
      %dma_start3A_37 = arith.constant 0 : i32
      %dma_start3A_38 = tpu.memref_slice %arg4[%add3A, %dma_start3A_36, %dma_start3A_37] : memref<32x125x80xi32, #tpu.memory_space<hbm>> -> memref<1x125x80xi32, #tpu.memory_space<hbm>>
      %dma_start3A_39 = tpu.memref_squeeze %dma_start3A_38 : memref<1x125x80xi32, #tpu.memory_space<hbm>> -> memref<125x80xi32, #tpu.memory_space<hbm>>
      tpu.enqueue_dma source(%dma_start3A_39 : memref<125x80xi32, #tpu.memory_space<hbm>>) target(%arg8 : memref<125x80xi32, #tpu.memory_space<vmem>>) target_semaphore(%run_scoped3A_31 : memref<!tpu.dma_semaphore, #tpu.memory_space<semaphore_mem>>)
      %dma_wait3A_40 = arith.constant 0 : i32
      %dma_wait3A_41 = arith.constant 0 : i32
      %dma_wait3A_42 = tpu.memref_slice %arg4[%add3A, %dma_wait3A_40, %dma_wait3A_41] : memref<32x125x80xi32, #tpu.memory_space<hbm>> -> memref<1x125x80xi32, #tpu.memory_space<hbm>>
      %dma_wait3A_43 = tpu.memref_squeeze %dma_wait3A_42 : memref<1x125x80xi32, #tpu.memory_space<hbm>> -> memref<125x80xi32, #tpu.memory_space<hbm>>
      %dma_wait3A_44 = arith.constant 0 : i32
      %dma_wait3A_45 = arith.constant 0 : i32
      %dma_wait3A_46 = tpu.memref_slice %arg4[%add3A, %dma_wait3A_44, %dma_wait3A_45] : memref<32x125x80xi32, #tpu.memory_space<hbm>> -> memref<1x125x80xi32, #tpu.memory_space<hbm>>
      %dma_wait3A_47 = tpu.memref_squeeze %dma_wait3A_46 : memref<1x125x80xi32, #tpu.memory_space<hbm>> -> memref<125x80xi32, #tpu.memory_space<hbm>>
      tpu.wait_dma2 semaphore(%run_scoped3A_31 : memref<!tpu.dma_semaphore, #tpu.memory_space<semaphore_mem>>) src(%dma_wait3A_47 : memref<125x80xi32, #tpu.memory_space<hbm>>) dst(%arg8 : memref<125x80xi32, #tpu.memory_space<vmem>>)
      tpu.yield
    }) : () -> ()
    %multiple_of3A_3 = arith.constant 0 : i32
    %multiple_of3A_4 = tpu.assume_multiple %multiple_of3A_3, 8 : i32
    %dma_start3A = tpu.memref_slice %arg7[%multiple_of3A_4] : memref<10000xi32, #tpu.memory_space<vmem>> -> memref<80xi32, #tpu.memory_space<vmem>>
    %dma_start3A_5 = arith.constant 0 : i32
    %dma_start3A_6 = arith.constant 0 : i32
    %dma_start3A_7 = tpu.memref_slice %arg2[%dma_start3A_5, %dma_start3A_6] : memref<10000x128xf32, #tpu.memory_space<hbm>> -> memref<10000x128xf32, #tpu.memory_space<hbm>>
    tpu.enqueue_indirect_dma source(%dma_start3A_7 : memref<10000x128xf32, #tpu.memory_space<hbm>>) target(%arg9 : memref<80x128xf32, #tpu.memory_space<vmem>>) offsets(%dma_start3A : memref<80xi32, #tpu.memory_space<vmem>>) semaphore(%arg12 : memref<!tpu.dma_semaphore, #tpu.memory_space<semaphore_mem>>)
    %multiple_of3A_8 = arith.constant 80 : i32
    %multiple_of3A_9 = tpu.assume_multiple %multiple_of3A_8, 8 : i32
    %dma_start3A_10 = tpu.memref_slice %arg7[%multiple_of3A_9] : memref<10000xi32, #tpu.memory_space<vmem>> -> memref<80xi32, #tpu.memory_space<vmem>>
    %dma_start3A_11 = arith.constant 0 : i32
    %dma_start3A_12 = arith.constant 0 : i32
    %dma_start3A_13 = tpu.memref_slice %arg2[%dma_start3A_11, %dma_start3A_12] : memref<10000x128xf32, #tpu.memory_space<hbm>> -> memref<10000x128xf32, #tpu.memory_space<hbm>>
    tpu.enqueue_indirect_dma source(%dma_start3A_13 : memref<10000x128xf32, #tpu.memory_space<hbm>>) target(%arg10 : memref<80x128xf32, #tpu.memory_space<vmem>>) offsets(%dma_start3A_10 : memref<80xi32, #tpu.memory_space<vmem>>) semaphore(%arg13 : memref<!tpu.dma_semaphore, #tpu.memory_space<semaphore_mem>>)
    %mul3A_14 = arith.constant 640 : i32
    %mul3A_15 = arith.muli %arg1, %mul3A_14 : i32
    %multiple_of3A_16 = tpu.assume_multiple %mul3A_15, 8 : i32
    "tpu.region"() ({
      %run_scoped3A_31 = tpu.sem_alloc : memref<!tpu.dma_semaphore, #tpu.memory_space<semaphore_mem>>
      %dma_start3A_32 = arith.constant 0 : i32
      %dma_start3A_33 = tpu.memref_slice %arg11[%multiple_of3A_16, %dma_start3A_32] : memref<10240x128xf32, #tpu.memory_space<vmem_shared>> -> memref<640x128xf32, #tpu.memory_space<vmem_shared>>
      %dma_start3A_34 = arith.constant 0 : i32
      %dma_start3A_35 = tpu.memref_slice %arg5[%multiple_of3A_16, %dma_start3A_34] : memref<10240x128xf32, #tpu.memory_space<hbm>> -> memref<640x128xf32, #tpu.memory_space<hbm>>
      tpu.enqueue_dma source(%dma_start3A_35 : memref<640x128xf32, #tpu.memory_space<hbm>>) target(%dma_start3A_33 : memref<640x128xf32, #tpu.memory_space<vmem_shared>>) target_semaphore(%run_scoped3A_31 : memref<!tpu.dma_semaphore, #tpu.memory_space<semaphore_mem>>)
      %dma_wait3A_36 = arith.constant 0 : i32
      %dma_wait3A_37 = tpu.memref_slice %arg11[%multiple_of3A_16, %dma_wait3A_36] : memref<10240x128xf32, #tpu.memory_space<vmem_shared>> -> memref<640x128xf32, #tpu.memory_space<vmem_shared>>
      %dma_wait3A_38 = arith.constant 0 : i32
      %dma_wait3A_39 = tpu.memref_slice %arg5[%multiple_of3A_16, %dma_wait3A_38] : memref<10240x128xf32, #tpu.memory_space<hbm>> -> memref<640x128xf32, #tpu.memory_space<hbm>>
      tpu.wait_dma2 semaphore(%run_scoped3A_31 : memref<!tpu.dma_semaphore, #tpu.memory_space<semaphore_mem>>) src(%dma_wait3A_39 : memref<640x128xf32, #tpu.memory_space<hbm>>) dst(%dma_wait3A_37 : memref<640x128xf32, #tpu.memory_space<vmem_shared>>)
      tpu.yield
    }) : () -> ()
    %barrier3A = arith.constant 0 : index
    tpu.barrier barrier_id(%barrier3A)
    %scan3A = arith.constant 0 : i32
    %scan3A_17 = arith.constant 0 : i32
    %scan3A_18 = arith.constant 62 : i32
    %scan3A_19 = arith.addi %scan3A_17, %scan3A_18 : i32
    %scan3A_20 = arith.constant 1 : i32
    %scan3A_21 = scf.for %scan3A_31 = %scan3A_17 to %scan3A_19 step %scan3A_20 iter_args(%scan3A_32 = %scan3A) -> (i32)  : i32 {
      %mul3A_33 = arith.constant 2 : i32
      %mul3A_34 = arith.muli %scan3A_31, %mul3A_33 : i32
      %dma_wait3A_35 = arith.constant 0 : i32
      %dma_wait3A_36 = tpu.memref_slice %arg7[%dma_wait3A_35] : memref<10000xi32, #tpu.memory_space<vmem>> -> memref<80xi32, #tpu.memory_space<vmem>>
      %dma_wait3A_37 = arith.constant 0 : i32
      %dma_wait3A_38 = arith.constant 0 : i32
      %dma_wait3A_39 = tpu.memref_slice %arg2[%dma_wait3A_37, %dma_wait3A_38] : memref<10000x128xf32, #tpu.memory_space<hbm>> -> memref<10000x128xf32, #tpu.memory_space<hbm>>
      tpu.wait_indirect_dma semaphore(%arg12 : memref<!tpu.dma_semaphore, #tpu.memory_space<semaphore_mem>>) src(%dma_wait3A_39 : memref<10000x128xf32, #tpu.memory_space<hbm>>) dst(%arg9 : memref<80x128xf32, #tpu.memory_space<vmem>>)
      "tpu.region"() ({
        %run_scoped3A_59 = tpu.sem_alloc : memref<!tpu.dma_semaphore, #tpu.memory_space<semaphore_mem>>
        %dma_start3A_60 = arith.constant 0 : i32
        %dma_start3A_61 = tpu.memref_slice %arg8[%mul3A_34, %dma_start3A_60] : memref<125x80xi32, #tpu.memory_space<vmem>> -> memref<1x80xi32, #tpu.memory_space<vmem>>
        %dma_start3A_62 = tpu.memref_squeeze %dma_start3A_61 : memref<1x80xi32, #tpu.memory_space<vmem>> -> memref<80xi32, #tpu.memory_space<vmem>>
        %dma_start3A_63 = arith.constant 0 : i32
        %dma_start3A_64 = arith.constant 0 : i32
        %dma_start3A_65 = tpu.memref_slice %arg11[%dma_start3A_63, %dma_start3A_64] : memref<10240x128xf32, #tpu.memory_space<vmem_shared>> -> memref<10240x128xf32, #tpu.memory_space<vmem_shared>>
        tpu.enqueue_indirect_dma source(%arg9 : memref<80x128xf32, #tpu.memory_space<vmem>>) target(%dma_start3A_65 : memref<10240x128xf32, #tpu.memory_space<vmem_shared>>) offsets(%dma_start3A_62 : memref<80xi32, #tpu.memory_space<vmem>>) semaphore(%run_scoped3A_59 : memref<!tpu.dma_semaphore, #tpu.memory_space<semaphore_mem>>) {add = true}
        %dma_wait3A_66 = arith.constant 0 : i32
        %dma_wait3A_67 = tpu.memref_slice %arg8[%mul3A_34, %dma_wait3A_66] : memref<125x80xi32, #tpu.memory_space<vmem>> -> memref<1x80xi32, #tpu.memory_space<vmem>>
        %dma_wait3A_68 = tpu.memref_squeeze %dma_wait3A_67 : memref<1x80xi32, #tpu.memory_space<vmem>> -> memref<80xi32, #tpu.memory_space<vmem>>
        %dma_wait3A_69 = arith.constant 0 : i32
        %dma_wait3A_70 = arith.constant 0 : i32
        %dma_wait3A_71 = tpu.memref_slice %arg11[%dma_wait3A_69, %dma_wait3A_70] : memref<10240x128xf32, #tpu.memory_space<vmem_shared>> -> memref<10240x128xf32, #tpu.memory_space<vmem_shared>>
        tpu.wait_indirect_dma semaphore(%run_scoped3A_59 : memref<!tpu.dma_semaphore, #tpu.memory_space<semaphore_mem>>) src(%arg9 : memref<80x128xf32, #tpu.memory_space<vmem>>) dst(%dma_wait3A_71 : memref<10240x128xf32, #tpu.memory_space<vmem_shared>>)
        tpu.yield
      }) : () -> ()
      %add3A_40 = arith.constant 2 : i32
      %add3A_41 = arith.addi %mul3A_34, %add3A_40 : i32
      %mul3A_42 = arith.constant 80 : i32
      %mul3A_43 = arith.muli %add3A_41, %mul3A_42 : i32
      %multiple_of3A_44 = tpu.assume_multiple %mul3A_43, 8 : i32
      %dma_start3A_45 = tpu.memref_slice %arg7[%multiple_of3A_44] : memref<10000xi32, #tpu.memory_space<vmem>> -> memref<80xi32, #tpu.memory_space<vmem>>
      %dma_start3A_46 = arith.constant 0 : i32
      %dma_start3A_47 = arith.constant 0 : i32
      %dma_start3A_48 = tpu.memref_slice %arg2[%dma_start3A_46, %dma_start3A_47] : memref<10000x128xf32, #tpu.memory_space<hbm>> -> memref<10000x128xf32, #tpu.memory_space<hbm>>
      tpu.enqueue_indirect_dma source(%dma_start3A_48 : memref<10000x128xf32, #tpu.memory_space<hbm>>) target(%arg9 : memref<80x128xf32, #tpu.memory_space<vmem>>) offsets(%dma_start3A_45 : memref<80xi32, #tpu.memory_space<vmem>>) semaphore(%arg12 : memref<!tpu.dma_semaphore, #tpu.memory_space<semaphore_mem>>)
      %dma_wait3A_49 = arith.constant 0 : i32
      %dma_wait3A_50 = tpu.memref_slice %arg7[%dma_wait3A_49] : memref<10000xi32, #tpu.memory_space<vmem>> -> memref<80xi32, #tpu.memory_space<vmem>>
      %dma_wait3A_51 = arith.constant 0 : i32
      %dma_wait3A_52 = arith.constant 0 : i32
      %dma_wait3A_53 = tpu.memref_slice %arg2[%dma_wait3A_51, %dma_wait3A_52] : memref<10000x128xf32, #tpu.memory_space<hbm>> -> memref<10000x128xf32, #tpu.memory_space<hbm>>
      tpu.wait_indirect_dma semaphore(%arg13 : memref<!tpu.dma_semaphore, #tpu.memory_space<semaphore_mem>>) src(%dma_wait3A_53 : memref<10000x128xf32, #tpu.memory_space<hbm>>) dst(%arg10 : memref<80x128xf32, #tpu.memory_space<vmem>>)
      %add3A_54 = arith.constant 1 : i32
      %add3A_55 = arith.addi %mul3A_34, %add3A_54 : i32
      "tpu.region"() ({
        %run_scoped3A_59 = tpu.sem_alloc : memref<!tpu.dma_semaphore, #tpu.memory_space<semaphore_mem>>
        %dma_start3A_60 = arith.constant 0 : i32
        %dma_start3A_61 = tpu.memref_slice %arg8[%add3A_55, %dma_start3A_60] : memref<125x80xi32, #tpu.memory_space<vmem>> -> memref<1x80xi32, #tpu.memory_space<vmem>>
        %dma_start3A_62 = tpu.memref_squeeze %dma_start3A_61 : memref<1x80xi32, #tpu.memory_space<vmem>> -> memref<80xi32, #tpu.memory_space<vmem>>
        %dma_start3A_63 = arith.constant 0 : i32
        %dma_start3A_64 = arith.constant 0 : i32
        %dma_start3A_65 = tpu.memref_slice %arg11[%dma_start3A_63, %dma_start3A_64] : memref<10240x128xf32, #tpu.memory_space<vmem_shared>> -> memref<10240x128xf32, #tpu.memory_space<vmem_shared>>
        tpu.enqueue_indirect_dma source(%arg10 : memref<80x128xf32, #tpu.memory_space<vmem>>) target(%dma_start3A_65 : memref<10240x128xf32, #tpu.memory_space<vmem_shared>>) offsets(%dma_start3A_62 : memref<80xi32, #tpu.memory_space<vmem>>) semaphore(%run_scoped3A_59 : memref<!tpu.dma_semaphore, #tpu.memory_space<semaphore_mem>>) {add = true}
        %dma_wait3A_66 = arith.constant 0 : i32
        %dma_wait3A_67 = tpu.memref_slice %arg8[%add3A_55, %dma_wait3A_66] : memref<125x80xi32, #tpu.memory_space<vmem>> -> memref<1x80xi32, #tpu.memory_space<vmem>>
        %dma_wait3A_68 = tpu.memref_squeeze %dma_wait3A_67 : memref<1x80xi32, #tpu.memory_space<vmem>> -> memref<80xi32, #tpu.memory_space<vmem>>
        %dma_wait3A_69 = arith.constant 0 : i32
        %dma_wait3A_70 = arith.constant 0 : i32
        %dma_wait3A_71 = tpu.memref_slice %arg11[%dma_wait3A_69, %dma_wait3A_70] : memref<10240x128xf32, #tpu.memory_space<vmem_shared>> -> memref<10240x128xf32, #tpu.memory_space<vmem_shared>>
        tpu.wait_indirect_dma semaphore(%run_scoped3A_59 : memref<!tpu.dma_semaphore, #tpu.memory_space<semaphore_mem>>) src(%arg10 : memref<80x128xf32, #tpu.memory_space<vmem>>) dst(%dma_wait3A_71 : memref<10240x128xf32, #tpu.memory_space<vmem_shared>>)
        tpu.yield
      }) : () -> ()
      %lt3A = arith.constant 61 : i32
      %lt3A_56 = arith.cmpi slt, %scan3A_31, %lt3A : i32
      %convert_element_type3A = arith.extui %lt3A_56 : i1 to i32
      %cond3A = arith.constant 0 : i32
      %cond3A_57 = arith.cmpi ne, %convert_element_type3A, %cond3A : i32
      scf.if %cond3A_57 {
        %add3A_59 = arith.constant 3 : i32
        %add3A_60 = arith.addi %mul3A_34, %add3A_59 : i32
        %mul3A_61 = arith.constant 80 : i32
        %mul3A_62 = arith.muli %add3A_60, %mul3A_61 : i32
        %multiple_of3A_63 = tpu.assume_multiple %mul3A_62, 8 : i32
        %dma_start3A_64 = tpu.memref_slice %arg7[%multiple_of3A_63] : memref<10000xi32, #tpu.memory_space<vmem>> -> memref<80xi32, #tpu.memory_space<vmem>>
        %dma_start3A_65 = arith.constant 0 : i32
        %dma_start3A_66 = arith.constant 0 : i32
        %dma_start3A_67 = tpu.memref_slice %arg2[%dma_start3A_65, %dma_start3A_66] : memref<10000x128xf32, #tpu.memory_space<hbm>> -> memref<10000x128xf32, #tpu.memory_space<hbm>>
        tpu.enqueue_indirect_dma source(%dma_start3A_67 : memref<10000x128xf32, #tpu.memory_space<hbm>>) target(%arg10 : memref<80x128xf32, #tpu.memory_space<vmem>>) offsets(%dma_start3A_64 : memref<80xi32, #tpu.memory_space<vmem>>) semaphore(%arg13 : memref<!tpu.dma_semaphore, #tpu.memory_space<semaphore_mem>>)
      } else {
      }
      %scan3A_58 = arith.constant 0 : i32
      scf.yield %scan3A_58 : i32
    }
    %scan3A_22 = arith.constant 62 : i32
    %dma_wait3A = arith.constant 0 : i32
    %dma_wait3A_23 = tpu.memref_slice %arg7[%dma_wait3A] : memref<10000xi32, #tpu.memory_space<vmem>> -> memref<80xi32, #tpu.memory_space<vmem>>
    %dma_wait3A_24 = arith.constant 0 : i32
    %dma_wait3A_25 = arith.constant 0 : i32
    %dma_wait3A_26 = tpu.memref_slice %arg2[%dma_wait3A_24, %dma_wait3A_25] : memref<10000x128xf32, #tpu.memory_space<hbm>> -> memref<10000x128xf32, #tpu.memory_space<hbm>>
    tpu.wait_indirect_dma semaphore(%arg12 : memref<!tpu.dma_semaphore, #tpu.memory_space<semaphore_mem>>) src(%dma_wait3A_26 : memref<10000x128xf32, #tpu.memory_space<hbm>>) dst(%arg9 : memref<80x128xf32, #tpu.memory_space<vmem>>)
    %run_scoped3A = arith.constant 124 : i32
    "tpu.region"() ({
      %run_scoped3A_31 = tpu.sem_alloc : memref<!tpu.dma_semaphore, #tpu.memory_space<semaphore_mem>>
      %dma_start3A_32 = arith.constant 0 : i32
      %dma_start3A_33 = tpu.memref_slice %arg8[%run_scoped3A, %dma_start3A_32] : memref<125x80xi32, #tpu.memory_space<vmem>> -> memref<1x80xi32, #tpu.memory_space<vmem>>
      %dma_start3A_34 = tpu.memref_squeeze %dma_start3A_33 : memref<1x80xi32, #tpu.memory_space<vmem>> -> memref<80xi32, #tpu.memory_space<vmem>>
      %dma_start3A_35 = arith.constant 0 : i32
      %dma_start3A_36 = arith.constant 0 : i32
      %dma_start3A_37 = tpu.memref_slice %arg11[%dma_start3A_35, %dma_start3A_36] : memref<10240x128xf32, #tpu.memory_space<vmem_shared>> -> memref<10240x128xf32, #tpu.memory_space<vmem_shared>>
      tpu.enqueue_indirect_dma source(%arg9 : memref<80x128xf32, #tpu.memory_space<vmem>>) target(%dma_start3A_37 : memref<10240x128xf32, #tpu.memory_space<vmem_shared>>) offsets(%dma_start3A_34 : memref<80xi32, #tpu.memory_space<vmem>>) semaphore(%run_scoped3A_31 : memref<!tpu.dma_semaphore, #tpu.memory_space<semaphore_mem>>) {add = true}
      %dma_wait3A_38 = arith.constant 0 : i32
      %dma_wait3A_39 = tpu.memref_slice %arg8[%run_scoped3A, %dma_wait3A_38] : memref<125x80xi32, #tpu.memory_space<vmem>> -> memref<1x80xi32, #tpu.memory_space<vmem>>
      %dma_wait3A_40 = tpu.memref_squeeze %dma_wait3A_39 : memref<1x80xi32, #tpu.memory_space<vmem>> -> memref<80xi32, #tpu.memory_space<vmem>>
      %dma_wait3A_41 = arith.constant 0 : i32
      %dma_wait3A_42 = arith.constant 0 : i32
      %dma_wait3A_43 = tpu.memref_slice %arg11[%dma_wait3A_41, %dma_wait3A_42] : memref<10240x128xf32, #tpu.memory_space<vmem_shared>> -> memref<10240x128xf32, #tpu.memory_space<vmem_shared>>
      tpu.wait_indirect_dma semaphore(%run_scoped3A_31 : memref<!tpu.dma_semaphore, #tpu.memory_space<semaphore_mem>>) src(%arg9 : memref<80x128xf32, #tpu.memory_space<vmem>>) dst(%dma_wait3A_43 : memref<10240x128xf32, #tpu.memory_space<vmem_shared>>)
      tpu.yield
    }) : () -> ()
    %barrier3A_27 = arith.constant 0 : index
    tpu.barrier barrier_id(%barrier3A_27)
    %mul3A_28 = arith.constant 640 : i32
    %mul3A_29 = arith.muli %arg1, %mul3A_28 : i32
    %multiple_of3A_30 = tpu.assume_multiple %mul3A_29, 8 : i32
    "tpu.region"() ({
      %run_scoped3A_31 = tpu.sem_alloc : memref<!tpu.dma_semaphore, #tpu.memory_space<semaphore_mem>>
      %dma_start3A_32 = arith.constant 0 : i32
      %dma_start3A_33 = arith.constant 0 : i32
      %dma_start3A_34 = tpu.memref_slice %arg6[%arg0, %dma_start3A_32, %dma_start3A_33] : memref<2x10240x128xf32, #tpu.memory_space<hbm>> -> memref<1x10240x128xf32, #tpu.memory_space<hbm>>
      %dma_start3A_35 = tpu.memref_squeeze %dma_start3A_34 : memref<1x10240x128xf32, #tpu.memory_space<hbm>> -> memref<10240x128xf32, #tpu.memory_space<hbm>>
      %dma_start3A_36 = arith.constant 0 : i32
      %dma_start3A_37 = tpu.memref_slice %dma_start3A_35[%multiple_of3A_30, %dma_start3A_36] : memref<10240x128xf32, #tpu.memory_space<hbm>> -> memref<640x128xf32, #tpu.memory_space<hbm>>
      %dma_start3A_38 = arith.constant 0 : i32
      %dma_start3A_39 = tpu.memref_slice %arg11[%multiple_of3A_30, %dma_start3A_38] : memref<10240x128xf32, #tpu.memory_space<vmem_shared>> -> memref<640x128xf32, #tpu.memory_space<vmem_shared>>
      tpu.enqueue_dma source(%dma_start3A_39 : memref<640x128xf32, #tpu.memory_space<vmem_shared>>) target(%dma_start3A_37 : memref<640x128xf32, #tpu.memory_space<hbm>>) target_semaphore(%run_scoped3A_31 : memref<!tpu.dma_semaphore, #tpu.memory_space<semaphore_mem>>)
      %dma_wait3A_40 = arith.constant 0 : i32
      %dma_wait3A_41 = arith.constant 0 : i32
      %dma_wait3A_42 = tpu.memref_slice %arg6[%arg0, %dma_wait3A_40, %dma_wait3A_41] : memref<2x10240x128xf32, #tpu.memory_space<hbm>> -> memref<1x10240x128xf32, #tpu.memory_space<hbm>>
      %dma_wait3A_43 = tpu.memref_squeeze %dma_wait3A_42 : memref<1x10240x128xf32, #tpu.memory_space<hbm>> -> memref<10240x128xf32, #tpu.memory_space<hbm>>
      %dma_wait3A_44 = arith.constant 0 : i32
      %dma_wait3A_45 = tpu.memref_slice %dma_wait3A_43[%multiple_of3A_30, %dma_wait3A_44] : memref<10240x128xf32, #tpu.memory_space<hbm>> -> memref<640x128xf32, #tpu.memory_space<hbm>>
      %dma_wait3A_46 = arith.constant 0 : i32
      %dma_wait3A_47 = tpu.memref_slice %arg11[%multiple_of3A_30, %dma_wait3A_46] : memref<10240x128xf32, #tpu.memory_space<vmem_shared>> -> memref<640x128xf32, #tpu.memory_space<vmem_shared>>
      tpu.wait_dma2 semaphore(%run_scoped3A_31 : memref<!tpu.dma_semaphore, #tpu.memory_space<semaphore_mem>>) src(%dma_wait3A_47 : memref<640x128xf32, #tpu.memory_space<vmem_shared>>) dst(%dma_wait3A_45 : memref<640x128xf32, #tpu.memory_space<hbm>>)
      tpu.yield
    }) : () -> ()
    return
  }
}

module attributes {stable_mosaic.version = 14 : i64} {
  func.func @_embed_body(%arg0: memref<10000x128xf32, #tpu.memory_space<vmem>>, %arg1: memref<128x128xf32, #tpu.memory_space<vmem>>, %arg2: memref<1x128xf32, #tpu.memory_space<vmem>>, %arg3: memref<10000x128xf32, #tpu.memory_space<vmem>>, %arg4: memref<10000x128xf32, #tpu.memory_space<vmem>>) attributes {dimension_semantics = [], scalar_prefetch = 0 : i64, scratch_operands = 0 : i64, tpu.core_type = #tpu.core_type<tc>} {
    %get3A = arith.constant 0 : index
    %get3A_0 = arith.constant 0 : index
    %get3A_1 = vector.load %arg0[%get3A, %get3A_0] : memref<10000x128xf32, #tpu.memory_space<vmem>>, vector<10000x128xf32>
    %get3A_2 = arith.constant 0 : index
    %get3A_3 = arith.constant 0 : index
    %get3A_4 = vector.load %arg1[%get3A_2, %get3A_3] : memref<128x128xf32, #tpu.memory_space<vmem>>, vector<128x128xf32>
    %convert_element_type3A = arith.truncf %get3A_1 : vector<10000x128xf32> to vector<10000x128xbf16>
    %convert_element_type3A_5 = arith.truncf %get3A_4 : vector<128x128xf32> to vector<128x128xbf16>
    %dot_general3A = arith.constant dense<0.000000e+00> : vector<10000x128xf32>
    %dot_general3A_6 = tpu.matmul %convert_element_type3A, %convert_element_type3A_5, %dot_general3A {dimension_numbers = #tpu.dot_dimension_numbers<[1], [0], [0], [1], [0, 0, 1, 1], [], []>, transpose_lhs_hint = false} : vector<10000x128xbf16>, vector<128x128xbf16>, vector<10000x128xf32> -> vector<10000x128xf32>
    %get3A_7 = arith.constant 0 : index
    %get3A_8 = arith.constant 0 : index
    %get3A_9 = vector.load %arg2[%get3A_7, %get3A_8] : memref<1x128xf32, #tpu.memory_space<vmem>>, vector<1x128xf32>
    %add3A = vector.broadcast %get3A_9 : vector<1x128xf32> to vector<10000x128xf32>
    %add3A_10 = arith.addf %dot_general3A_6, %add3A : vector<10000x128xf32>
    %swap3A = arith.constant 0 : index
    %swap3A_11 = arith.constant 0 : index
    %swap3A_12 = vector.load %arg3[%swap3A, %swap3A_11] : memref<10000x128xf32, #tpu.memory_space<vmem>>, vector<10000x128xf32>
    tpu.vector_store %arg3[%swap3A, %swap3A_11], %add3A_10 {strides = array<i32>} : memref<10000x128xf32, #tpu.memory_space<vmem>>, vector<10000x128xf32>,
    %max3A = arith.constant 0.000000e+00 : f32
    %max3A_13 = vector.broadcast %max3A : f32 to vector<10000x128xf32>
    %max3A_14 = arith.maximumf %add3A_10, %max3A_13 : vector<10000x128xf32>
    %swap3A_15 = arith.constant 0 : index
    %swap3A_16 = arith.constant 0 : index
    %swap3A_17 = vector.load %arg4[%swap3A_15, %swap3A_16] : memref<10000x128xf32, #tpu.memory_space<vmem>>, vector<10000x128xf32>
    tpu.vector_store %arg4[%swap3A_15, %swap3A_16], %max3A_14 {strides = array<i32>} : memref<10000x128xf32, #tpu.memory_space<vmem>>, vector<10000x128xf32>,
    return
  }
}

module attributes {stable_mosaic.version = 14 : i64} {
  func.func @_mlp_body(%arg0: memref<10000x128xf32, #tpu.memory_space<vmem>>, %arg1: memref<2x10240x128xf32, #tpu.memory_space<vmem>>, %arg2: memref<128x256xf32, #tpu.memory_space<vmem>>, %arg3: memref<1x256xf32, #tpu.memory_space<vmem>>, %arg4: memref<1x256xf32, #tpu.memory_space<vmem>>, %arg5: memref<1x256xf32, #tpu.memory_space<vmem>>, %arg6: memref<256x128xf32, #tpu.memory_space<vmem>>, %arg7: memref<1x128xf32, #tpu.memory_space<vmem>>, %arg8: memref<1x1xf32, #tpu.memory_space<vmem>>, %arg9: memref<1x128xf32, #tpu.memory_space<vmem>>, %arg10: memref<1x128xf32, #tpu.memory_space<vmem>>, %arg11: memref<10000x128xf32, #tpu.memory_space<vmem>>) attributes {dimension_semantics = [], scalar_prefetch = 0 : i64, scratch_operands = 0 : i64, tpu.core_type = #tpu.core_type<tc>} {
    %get3A = arith.constant 0 : index
    %get3A_0 = arith.constant 0 : index
    %get3A_1 = arith.constant 0 : index
    %get3A_2 = vector.load %arg1[%get3A, %get3A_0, %get3A_1] : memref<2x10240x128xf32, #tpu.memory_space<vmem>>, vector<1x10000x128xf32>
    %get3A_3 = vector.shape_cast %get3A_2 : vector<1x10000x128xf32> to vector<10000x128xf32>
    %get3A_4 = arith.constant 1 : index
    %get3A_5 = arith.constant 0 : index
    %get3A_6 = arith.constant 0 : index
    %get3A_7 = vector.load %arg1[%get3A_4, %get3A_5, %get3A_6] : memref<2x10240x128xf32, #tpu.memory_space<vmem>>, vector<1x10000x128xf32>
    %get3A_8 = vector.shape_cast %get3A_7 : vector<1x10000x128xf32> to vector<10000x128xf32>
    %add3A = arith.addf %get3A_3, %get3A_8 : vector<10000x128xf32>
    %get3A_9 = arith.constant 0 : index
    %get3A_10 = arith.constant 0 : index
    %get3A_11 = vector.load %arg0[%get3A_9, %get3A_10] : memref<10000x128xf32, #tpu.memory_space<vmem>>, vector<10000x128xf32>
    %get3A_12 = arith.constant 0 : index
    %get3A_13 = arith.constant 0 : index
    %get3A_14 = vector.load %arg8[%get3A_12, %get3A_13] : memref<1x1xf32, #tpu.memory_space<vmem>>, vector<1x1xf32>
    %get3A_15 = vector.extract %get3A_14[0, 0] : f32 from vector<1x1xf32>
    %add3A_16 = arith.constant 1.000000e+00 : f32
    %add3A_17 = arith.addf %add3A_16, %get3A_15 : f32
    %mul3A = vector.broadcast %add3A_17 : f32 to vector<10000x128xf32>
    %mul3A_18 = arith.mulf %get3A_11, %mul3A : vector<10000x128xf32>
    %add3A_19 = arith.addf %mul3A_18, %add3A : vector<10000x128xf32>
    %get3A_20 = arith.constant 0 : index
    %get3A_21 = arith.constant 0 : index
    %get3A_22 = vector.load %arg2[%get3A_20, %get3A_21] : memref<128x256xf32, #tpu.memory_space<vmem>>, vector<128x256xf32>
    %convert_element_type3A = arith.truncf %add3A_19 : vector<10000x128xf32> to vector<10000x128xbf16>
    %convert_element_type3A_23 = arith.truncf %get3A_22 : vector<128x256xf32> to vector<128x256xbf16>
    %dot_general3A = arith.constant dense<0.000000e+00> : vector<10000x256xf32>
    %dot_general3A_24 = tpu.matmul %convert_element_type3A, %convert_element_type3A_23, %dot_general3A {dimension_numbers = #tpu.dot_dimension_numbers<[1], [0], [0], [1], [0, 0, 1, 1], [], []>, transpose_lhs_hint = false} : vector<10000x128xbf16>, vector<128x256xbf16>, vector<10000x256xf32> -> vector<10000x256xf32>
    %get3A_25 = arith.constant 0 : index
    %get3A_26 = arith.constant 0 : index
    %get3A_27 = vector.load %arg3[%get3A_25, %get3A_26] : memref<1x256xf32, #tpu.memory_space<vmem>>, vector<1x256xf32>
    %add3A_28 = vector.broadcast %get3A_27 : vector<1x256xf32> to vector<10000x256xf32>
    %add3A_29 = arith.addf %dot_general3A_24, %add3A_28 : vector<10000x256xf32>
    %get3A_30 = arith.constant 0 : index
    %get3A_31 = arith.constant 0 : index
    %get3A_32 = vector.load %arg4[%get3A_30, %get3A_31] : memref<1x256xf32, #tpu.memory_space<vmem>>, vector<1x256xf32>
    %get3A_33 = arith.constant 0 : index
    %get3A_34 = arith.constant 0 : index
    %get3A_35 = vector.load %arg5[%get3A_33, %get3A_34] : memref<1x256xf32, #tpu.memory_space<vmem>>, vector<1x256xf32>
    %reduce_sum3A = arith.constant dense<0.000000e+00> : vector<256xf32>
    %reduce_sum3A_36 = vector.multi_reduction <add>, %add3A_29, %reduce_sum3A [0] : vector<10000x256xf32> to vector<256xf32>
    %broadcast_in_dim3A = vector.shape_cast %reduce_sum3A_36 : vector<256xf32> to vector<1x256xf32>
    %div3A = arith.constant 1.000000e+04 : f32
    %div3A_37 = vector.broadcast %div3A : f32 to vector<1x256xf32>
    %div3A_38 = arith.divf %broadcast_in_dim3A, %div3A_37 : vector<1x256xf32>
    %sub3A = vector.broadcast %div3A_38 : vector<1x256xf32> to vector<10000x256xf32>
    %sub3A_39 = arith.subf %add3A_29, %sub3A : vector<10000x256xf32>
    %integer_pow3A = arith.mulf %sub3A_39, %sub3A_39 : vector<10000x256xf32>
    %reduce_sum3A_40 = arith.constant dense<0.000000e+00> : vector<256xf32>
    %reduce_sum3A_41 = vector.multi_reduction <add>, %integer_pow3A, %reduce_sum3A_40 [0] : vector<10000x256xf32> to vector<256xf32>
    %broadcast_in_dim3A_42 = vector.shape_cast %reduce_sum3A_41 : vector<256xf32> to vector<1x256xf32>
    %div3A_43 = arith.constant 1.000000e+04 : f32
    %div3A_44 = vector.broadcast %div3A_43 : f32 to vector<1x256xf32>
    %div3A_45 = arith.divf %broadcast_in_dim3A_42, %div3A_44 : vector<1x256xf32>
    %sub3A_46 = vector.broadcast %div3A_38 : vector<1x256xf32> to vector<10000x256xf32>
    %sub3A_47 = arith.subf %add3A_29, %sub3A_46 : vector<10000x256xf32>
    %add3A_48 = arith.constant 9.99999974E-6 : f32
    %add3A_49 = vector.broadcast %add3A_48 : f32 to vector<1x256xf32>
    %add3A_50 = arith.addf %div3A_45, %add3A_49 : vector<1x256xf32>
    %sqrt3A = math.sqrt %add3A_50 : vector<1x256xf32>
    %div3A_51 = vector.broadcast %sqrt3A : vector<1x256xf32> to vector<10000x256xf32>
    %div3A_52 = arith.divf %sub3A_47, %div3A_51 : vector<10000x256xf32>
    %mul3A_53 = vector.broadcast %get3A_32 : vector<1x256xf32> to vector<10000x256xf32>
    %mul3A_54 = arith.mulf %div3A_52, %mul3A_53 : vector<10000x256xf32>
    %add3A_55 = vector.broadcast %get3A_35 : vector<1x256xf32> to vector<10000x256xf32>
    %add3A_56 = arith.addf %mul3A_54, %add3A_55 : vector<10000x256xf32>
    %max3A = arith.constant 0.000000e+00 : f32
    %max3A_57 = vector.broadcast %max3A : f32 to vector<10000x256xf32>
    %max3A_58 = arith.maximumf %add3A_56, %max3A_57 : vector<10000x256xf32>
    %get3A_59 = arith.constant 0 : index
    %get3A_60 = arith.constant 0 : index
    %get3A_61 = vector.load %arg6[%get3A_59, %get3A_60] : memref<256x128xf32, #tpu.memory_space<vmem>>, vector<256x128xf32>
    %convert_element_type3A_62 = arith.truncf %max3A_58 : vector<10000x256xf32> to vector<10000x256xbf16>
    %convert_element_type3A_63 = arith.truncf %get3A_61 : vector<256x128xf32> to vector<256x128xbf16>
    %dot_general3A_64 = arith.constant dense<0.000000e+00> : vector<10000x128xf32>
    %dot_general3A_65 = tpu.matmul %convert_element_type3A_62, %convert_element_type3A_63, %dot_general3A_64 {dimension_numbers = #tpu.dot_dimension_numbers<[1], [0], [0], [1], [0, 0, 1, 1], [], []>, transpose_lhs_hint = false} : vector<10000x256xbf16>, vector<256x128xbf16>, vector<10000x128xf32> -> vector<10000x128xf32>
    %get3A_66 = arith.constant 0 : index
    %get3A_67 = arith.constant 0 : index
    %get3A_68 = vector.load %arg7[%get3A_66, %get3A_67] : memref<1x128xf32, #tpu.memory_space<vmem>>, vector<1x128xf32>
    %add3A_69 = vector.broadcast %get3A_68 : vector<1x128xf32> to vector<10000x128xf32>
    %add3A_70 = arith.addf %dot_general3A_65, %add3A_69 : vector<10000x128xf32>
    %get3A_71 = arith.constant 0 : index
    %get3A_72 = arith.constant 0 : index
    %get3A_73 = vector.load %arg9[%get3A_71, %get3A_72] : memref<1x128xf32, #tpu.memory_space<vmem>>, vector<1x128xf32>
    %get3A_74 = arith.constant 0 : index
    %get3A_75 = arith.constant 0 : index
    %get3A_76 = vector.load %arg10[%get3A_74, %get3A_75] : memref<1x128xf32, #tpu.memory_space<vmem>>, vector<1x128xf32>
    %reduce_sum3A_77 = arith.constant dense<0.000000e+00> : vector<128xf32>
    %reduce_sum3A_78 = vector.multi_reduction <add>, %add3A_70, %reduce_sum3A_77 [0] : vector<10000x128xf32> to vector<128xf32>
    %broadcast_in_dim3A_79 = vector.shape_cast %reduce_sum3A_78 : vector<128xf32> to vector<1x128xf32>
    %div3A_80 = arith.constant 1.000000e+04 : f32
    %div3A_81 = vector.broadcast %div3A_80 : f32 to vector<1x128xf32>
    %div3A_82 = arith.divf %broadcast_in_dim3A_79, %div3A_81 : vector<1x128xf32>
    %sub3A_83 = vector.broadcast %div3A_82 : vector<1x128xf32> to vector<10000x128xf32>
    %sub3A_84 = arith.subf %add3A_70, %sub3A_83 : vector<10000x128xf32>
    %integer_pow3A_85 = arith.mulf %sub3A_84, %sub3A_84 : vector<10000x128xf32>
    %reduce_sum3A_86 = arith.constant dense<0.000000e+00> : vector<128xf32>
    %reduce_sum3A_87 = vector.multi_reduction <add>, %integer_pow3A_85, %reduce_sum3A_86 [0] : vector<10000x128xf32> to vector<128xf32>
    %broadcast_in_dim3A_88 = vector.shape_cast %reduce_sum3A_87 : vector<128xf32> to vector<1x128xf32>
    %div3A_89 = arith.constant 1.000000e+04 : f32
    %div3A_90 = vector.broadcast %div3A_89 : f32 to vector<1x128xf32>
    %div3A_91 = arith.divf %broadcast_in_dim3A_88, %div3A_90 : vector<1x128xf32>
    %sub3A_92 = vector.broadcast %div3A_82 : vector<1x128xf32> to vector<10000x128xf32>
    %sub3A_93 = arith.subf %add3A_70, %sub3A_92 : vector<10000x128xf32>
    %add3A_94 = arith.constant 9.99999974E-6 : f32
    %add3A_95 = vector.broadcast %add3A_94 : f32 to vector<1x128xf32>
    %add3A_96 = arith.addf %div3A_91, %add3A_95 : vector<1x128xf32>
    %sqrt3A_97 = math.sqrt %add3A_96 : vector<1x128xf32>
    %div3A_98 = vector.broadcast %sqrt3A_97 : vector<1x128xf32> to vector<10000x128xf32>
    %div3A_99 = arith.divf %sub3A_93, %div3A_98 : vector<10000x128xf32>
    %mul3A_100 = vector.broadcast %get3A_73 : vector<1x128xf32> to vector<10000x128xf32>
    %mul3A_101 = arith.mulf %div3A_99, %mul3A_100 : vector<10000x128xf32>
    %add3A_102 = vector.broadcast %get3A_76 : vector<1x128xf32> to vector<10000x128xf32>
    %add3A_103 = arith.addf %mul3A_101, %add3A_102 : vector<10000x128xf32>
    %max3A_104 = arith.constant 0.000000e+00 : f32
    %max3A_105 = vector.broadcast %max3A_104 : f32 to vector<10000x128xf32>
    %max3A_106 = arith.maximumf %add3A_103, %max3A_105 : vector<10000x128xf32>
    %swap3A = arith.constant 0 : index
    %swap3A_107 = arith.constant 0 : index
    %swap3A_108 = vector.load %arg11[%swap3A, %swap3A_107] : memref<10000x128xf32, #tpu.memory_space<vmem>>, vector<10000x128xf32>
    tpu.vector_store %arg11[%swap3A, %swap3A_107], %max3A_106 {strides = array<i32>} : memref<10000x128xf32, #tpu.memory_space<vmem>>, vector<10000x128xf32>,
    return
  }
}

module attributes {stable_mosaic.version = 14 : i64} {
  func.func @_last_body(%arg0: memref<10000x128xf32, #tpu.memory_space<vmem>>, %arg1: memref<2x10240x128xf32, #tpu.memory_space<vmem>>, %arg2: memref<128x256xf32, #tpu.memory_space<vmem>>, %arg3: memref<1x256xf32, #tpu.memory_space<vmem>>, %arg4: memref<1x256xf32, #tpu.memory_space<vmem>>, %arg5: memref<1x256xf32, #tpu.memory_space<vmem>>, %arg6: memref<256x128xf32, #tpu.memory_space<vmem>>, %arg7: memref<1x128xf32, #tpu.memory_space<vmem>>, %arg8: memref<1x1xf32, #tpu.memory_space<vmem>>, %arg9: memref<1x10000xi32, #tpu.memory_space<vmem>>, %arg10: memref<128x1xf32, #tpu.memory_space<vmem>>, %arg11: memref<1x1xf32, #tpu.memory_space<vmem>>, %arg12: memref<64x1xf32, #tpu.memory_space<vmem>>) attributes {dimension_semantics = [], scalar_prefetch = 0 : i64, scratch_operands = 0 : i64, tpu.core_type = #tpu.core_type<tc>} {
    %get3A = arith.constant 0 : index
    %get3A_0 = arith.constant 0 : index
    %get3A_1 = arith.constant 0 : index
    %get3A_2 = vector.load %arg1[%get3A, %get3A_0, %get3A_1] : memref<2x10240x128xf32, #tpu.memory_space<vmem>>, vector<1x10000x128xf32>
    %get3A_3 = vector.shape_cast %get3A_2 : vector<1x10000x128xf32> to vector<10000x128xf32>
    %get3A_4 = arith.constant 1 : index
    %get3A_5 = arith.constant 0 : index
    %get3A_6 = arith.constant 0 : index
    %get3A_7 = vector.load %arg1[%get3A_4, %get3A_5, %get3A_6] : memref<2x10240x128xf32, #tpu.memory_space<vmem>>, vector<1x10000x128xf32>
    %get3A_8 = vector.shape_cast %get3A_7 : vector<1x10000x128xf32> to vector<10000x128xf32>
    %add3A = arith.addf %get3A_3, %get3A_8 : vector<10000x128xf32>
    %get3A_9 = arith.constant 0 : index
    %get3A_10 = arith.constant 0 : index
    %get3A_11 = vector.load %arg0[%get3A_9, %get3A_10] : memref<10000x128xf32, #tpu.memory_space<vmem>>, vector<10000x128xf32>
    %get3A_12 = arith.constant 0 : index
    %get3A_13 = arith.constant 0 : index
    %get3A_14 = vector.load %arg8[%get3A_12, %get3A_13] : memref<1x1xf32, #tpu.memory_space<vmem>>, vector<1x1xf32>
    %get3A_15 = vector.extract %get3A_14[0, 0] : f32 from vector<1x1xf32>
    %add3A_16 = arith.constant 1.000000e+00 : f32
    %add3A_17 = arith.addf %add3A_16, %get3A_15 : f32
    %mul3A = vector.broadcast %add3A_17 : f32 to vector<10000x128xf32>
    %mul3A_18 = arith.mulf %get3A_11, %mul3A : vector<10000x128xf32>
    %add3A_19 = arith.addf %mul3A_18, %add3A : vector<10000x128xf32>
    %get3A_20 = arith.constant 0 : index
    %get3A_21 = arith.constant 0 : index
    %get3A_22 = vector.load %arg2[%get3A_20, %get3A_21] : memref<128x256xf32, #tpu.memory_space<vmem>>, vector<128x256xf32>
    %convert_element_type3A = arith.truncf %add3A_19 : vector<10000x128xf32> to vector<10000x128xbf16>
    %convert_element_type3A_23 = arith.truncf %get3A_22 : vector<128x256xf32> to vector<128x256xbf16>
    %dot_general3A = arith.constant dense<0.000000e+00> : vector<10000x256xf32>
    %dot_general3A_24 = tpu.matmul %convert_element_type3A, %convert_element_type3A_23, %dot_general3A {dimension_numbers = #tpu.dot_dimension_numbers<[1], [0], [0], [1], [0, 0, 1, 1], [], []>, transpose_lhs_hint = false} : vector<10000x128xbf16>, vector<128x256xbf16>, vector<10000x256xf32> -> vector<10000x256xf32>
    %get3A_25 = arith.constant 0 : index
    %get3A_26 = arith.constant 0 : index
    %get3A_27 = vector.load %arg3[%get3A_25, %get3A_26] : memref<1x256xf32, #tpu.memory_space<vmem>>, vector<1x256xf32>
    %add3A_28 = vector.broadcast %get3A_27 : vector<1x256xf32> to vector<10000x256xf32>
    %add3A_29 = arith.addf %dot_general3A_24, %add3A_28 : vector<10000x256xf32>
    %get3A_30 = arith.constant 0 : index
    %get3A_31 = arith.constant 0 : index
    %get3A_32 = vector.load %arg4[%get3A_30, %get3A_31] : memref<1x256xf32, #tpu.memory_space<vmem>>, vector<1x256xf32>
    %get3A_33 = arith.constant 0 : index
    %get3A_34 = arith.constant 0 : index
    %get3A_35 = vector.load %arg5[%get3A_33, %get3A_34] : memref<1x256xf32, #tpu.memory_space<vmem>>, vector<1x256xf32>
    %reduce_sum3A = arith.constant dense<0.000000e+00> : vector<256xf32>
    %reduce_sum3A_36 = vector.multi_reduction <add>, %add3A_29, %reduce_sum3A [0] : vector<10000x256xf32> to vector<256xf32>
    %broadcast_in_dim3A = vector.shape_cast %reduce_sum3A_36 : vector<256xf32> to vector<1x256xf32>
    %div3A = arith.constant 1.000000e+04 : f32
    %div3A_37 = vector.broadcast %div3A : f32 to vector<1x256xf32>
    %div3A_38 = arith.divf %broadcast_in_dim3A, %div3A_37 : vector<1x256xf32>
    %sub3A = vector.broadcast %div3A_38 : vector<1x256xf32> to vector<10000x256xf32>
    %sub3A_39 = arith.subf %add3A_29, %sub3A : vector<10000x256xf32>
    %integer_pow3A = arith.mulf %sub3A_39, %sub3A_39 : vector<10000x256xf32>
    %reduce_sum3A_40 = arith.constant dense<0.000000e+00> : vector<256xf32>
    %reduce_sum3A_41 = vector.multi_reduction <add>, %integer_pow3A, %reduce_sum3A_40 [0] : vector<10000x256xf32> to vector<256xf32>
    %broadcast_in_dim3A_42 = vector.shape_cast %reduce_sum3A_41 : vector<256xf32> to vector<1x256xf32>
    %div3A_43 = arith.constant 1.000000e+04 : f32
    %div3A_44 = vector.broadcast %div3A_43 : f32 to vector<1x256xf32>
    %div3A_45 = arith.divf %broadcast_in_dim3A_42, %div3A_44 : vector<1x256xf32>
    %sub3A_46 = vector.broadcast %div3A_38 : vector<1x256xf32> to vector<10000x256xf32>
    %sub3A_47 = arith.subf %add3A_29, %sub3A_46 : vector<10000x256xf32>
    %add3A_48 = arith.constant 9.99999974E-6 : f32
    %add3A_49 = vector.broadcast %add3A_48 : f32 to vector<1x256xf32>
    %add3A_50 = arith.addf %div3A_45, %add3A_49 : vector<1x256xf32>
    %sqrt3A = math.sqrt %add3A_50 : vector<1x256xf32>
    %div3A_51 = vector.broadcast %sqrt3A : vector<1x256xf32> to vector<10000x256xf32>
    %div3A_52 = arith.divf %sub3A_47, %div3A_51 : vector<10000x256xf32>
    %mul3A_53 = vector.broadcast %get3A_32 : vector<1x256xf32> to vector<10000x256xf32>
    %mul3A_54 = arith.mulf %div3A_52, %mul3A_53 : vector<10000x256xf32>
    %add3A_55 = vector.broadcast %get3A_35 : vector<1x256xf32> to vector<10000x256xf32>
    %add3A_56 = arith.addf %mul3A_54, %add3A_55 : vector<10000x256xf32>
    %max3A = arith.constant 0.000000e+00 : f32
    %max3A_57 = vector.broadcast %max3A : f32 to vector<10000x256xf32>
    %max3A_58 = arith.maximumf %add3A_56, %max3A_57 : vector<10000x256xf32>
    %get3A_59 = arith.constant 0 : index
    %get3A_60 = arith.constant 0 : index
    %get3A_61 = vector.load %arg6[%get3A_59, %get3A_60] : memref<256x128xf32, #tpu.memory_space<vmem>>, vector<256x128xf32>
    %convert_element_type3A_62 = arith.truncf %max3A_58 : vector<10000x256xf32> to vector<10000x256xbf16>
    %convert_element_type3A_63 = arith.truncf %get3A_61 : vector<256x128xf32> to vector<256x128xbf16>
    %dot_general3A_64 = arith.constant dense<0.000000e+00> : vector<10000x128xf32>
    %dot_general3A_65 = tpu.matmul %convert_element_type3A_62, %convert_element_type3A_63, %dot_general3A_64 {dimension_numbers = #tpu.dot_dimension_numbers<[1], [0], [0], [1], [0, 0, 1, 1], [], []>, transpose_lhs_hint = false} : vector<10000x256xbf16>, vector<256x128xbf16>, vector<10000x128xf32> -> vector<10000x128xf32>
    %get3A_66 = arith.constant 0 : index
    %get3A_67 = arith.constant 0 : index
    %get3A_68 = vector.load %arg7[%get3A_66, %get3A_67] : memref<1x128xf32, #tpu.memory_space<vmem>>, vector<1x128xf32>
    %add3A_69 = vector.broadcast %get3A_68 : vector<1x128xf32> to vector<10000x128xf32>
    %add3A_70 = arith.addf %dot_general3A_65, %add3A_69 : vector<10000x128xf32>
    %iota3A = tpu.iota {dimensions = array<i32: 0>} : vector<64x10000xi32>
    %get3A_71 = arith.constant 0 : index
    %get3A_72 = arith.constant 0 : index
    %get3A_73 = vector.load %arg9[%get3A_71, %get3A_72] : memref<1x10000xi32, #tpu.memory_space<vmem>>, vector<1x10000xi32>
    %eq3A = vector.broadcast %get3A_73 : vector<1x10000xi32> to vector<64x10000xi32>
    %eq3A_74 = arith.cmpi eq, %eq3A, %iota3A : vector<64x10000xi32>
    %convert_element_type3A_75 = arith.extui %eq3A_74 : vector<64x10000xi1> to vector<64x10000xi32>
    %convert_element_type3A_76 = arith.sitofp %convert_element_type3A_75 : vector<64x10000xi32> to vector<64x10000xf32>
    %dot_general3A_77 = arith.constant dense<0.000000e+00> : vector<64x128xf32>
    %dot_general3A_78 = tpu.matmul %convert_element_type3A_76, %add3A_70, %dot_general3A_77 {dimension_numbers = #tpu.dot_dimension_numbers<[1], [0], [0], [1], [0, 0, 1, 1], [], []>, precision = #tpu.contract_precision<fp32>, transpose_lhs_hint = false} : vector<64x10000xf32>, vector<10000x128xf32>, vector<64x128xf32> -> vector<64x128xf32>
    %reduce_sum3A_79 = arith.constant dense<0.000000e+00> : vector<64xf32>
    %reduce_sum3A_80 = vector.multi_reduction <add>, %convert_element_type3A_76, %reduce_sum3A_79 [1] : vector<64x10000xf32> to vector<64xf32>
    %broadcast_in_dim3A_81 = vector.shape_cast %reduce_sum3A_80 : vector<64xf32> to vector<64x1xf32>
    %max3A_82 = arith.constant 1.000000e+00 : f32
    %max3A_83 = vector.broadcast %max3A_82 : f32 to vector<64x1xf32>
    %max3A_84 = arith.maximumf %broadcast_in_dim3A_81, %max3A_83 : vector<64x1xf32>
    %div3A_85 = vector.broadcast %max3A_84 : vector<64x1xf32> to vector<64x128xf32>
    %div3A_86 = arith.divf %dot_general3A_78, %div3A_85 : vector<64x128xf32>
    %get3A_87 = arith.constant 0 : index
    %get3A_88 = arith.constant 0 : index
    %get3A_89 = vector.load %arg10[%get3A_87, %get3A_88] : memref<128x1xf32, #tpu.memory_space<vmem>>, vector<128x1xf32>
    %dot_general3A_90 = arith.constant dense<0.000000e+00> : vector<64x1xf32>
    %dot_general3A_91 = tpu.matmul %div3A_86, %get3A_89, %dot_general3A_90 {dimension_numbers = #tpu.dot_dimension_numbers<[1], [0], [0], [1], [0, 0, 1, 1], [], []>, transpose_lhs_hint = false} : vector<64x128xf32>, vector<128x1xf32>, vector<64x1xf32> -> vector<64x1xf32>
    %get3A_92 = arith.constant 0 : index
    %get3A_93 = arith.constant 0 : index
    %get3A_94 = vector.load %arg11[%get3A_92, %get3A_93] : memref<1x1xf32, #tpu.memory_space<vmem>>, vector<1x1xf32>
    %add3A_95 = vector.broadcast %get3A_94 : vector<1x1xf32> to vector<64x1xf32>
    %add3A_96 = arith.addf %dot_general3A_91, %add3A_95 : vector<64x1xf32>
    %swap3A = arith.constant 0 : index
    %swap3A_97 = arith.constant 0 : index
    %swap3A_98 = vector.load %arg12[%swap3A, %swap3A_97] : memref<64x1xf32, #tpu.memory_space<vmem>>, vector<64x1xf32>
    tpu.vector_store %arg12[%swap3A, %swap3A_97], %add3A_96 {strides = array<i32>} : memref<64x1xf32, #tpu.memory_space<vmem>>, vector<64x1xf32>,
    return
  }
}

</mosaic_0001>

<sc_bundles>
// kernel: kernel.12.cloned.1.call-start
scs
__scs_entry_jumppad:
0x0: {  	(pc) =	sbr.rel $0x88, $3  }
0x1: {  	(tag) =	ssettag $0x0;
	lr =	simm.s32 $0x1  }
0x2: {  	[smem:$0x3F91] =	sst lr;
	_ =	strace $0xD0000000  }
0x3: {  	_ = 	snop  }
0x4: {  	_ = 	snop  }
0x5: {  	_ = 	snop  }
0x6: {  	_ = 	snop  }
0x7: {  	_ = 	snop  }
__scs_overlays_trampoline_lowered:
0x8: {  	[smem:$0x3FA0] =	sst s0  }
0x9: {  	[smem:$0x3FA1] =	sst s1  }
0xa: {  	[smem:$0x3FA2] =	sst s2  }
0xb: {  	[smem:$0x3FA3] =	sst s3  }
0xc: {  	[smem:$0x3FA4] =	sst s4  }
0xd: {  	[smem:$0x3FA5] =	sst s5  }
0xe: {  	[smem:$0x3FA6] =	sst s6  }
0xf: {  	[smem:$0x3FA7] =	sst s7  }
0x10: {  	[smem:$0x3FA8] =	sst s8  }
0x11: {  	[smem:$0x3FA9] =	sst s9;
	s0 =	simm.s32 @!p0 $0x0  }
0x12: {  	s1 =	sld [smem:$0x3F8F];
	s0 =	simm.s32 @p0 $0x1  }
0x13: {  	[smem:$0x3FAA] =	sst s0;
	s0 =	simm.s32 @!p1 $0x0  }
0x14: {  	s2 =	sld [smem:$0x3F8E];
	s0 =	simm.s32 @p1 $0x1  }
0x15: {  	[smem:$0x3FAB] =	sst s0;
	s0 =	simm.s32 @!p2 $0x0  }
0x16: {  	s3 =	sld [smem:$0x3FDB];
	s0 =	simm.s32 @p2 $0x1  }
0x17: {  	s4 =	simm.s32 $0x1BF5;
	[smem:$0x3FAD] =	sst s0  }
0x18: {  	s0 =	sld [smem:$0x3F90];
	_ =	swait.ge [sflag:s4], $0x0  }
0x19: {  	s7 =	sld [smem:$0x3F91]  }
0x1a: {  	s8 =	sadd.s32 $0xFFFFE003, lr  }
0x1b: {  	s9 =	sadd.s32 $0xFFFFFEF7, lr;
	s5 =	simm.s32 $0xFFFFFFFF;
	p2 =	slt.u32 s8, $0xFFFFF086  }
0x1c: {  	p1 =	slt.u32 s9, $0xF7A;
	s5 =	simm.s32 @!p2 $0x0  }
0x1d: {  	s5 =	simm.s32 @p1 $0x1;
	p0 =	seq.s32 s7, s2  }
0x1e: {  	s7 =	smul.u32 @!p0 $0xF7A, s2;
	p2 =	seq.s32 @!p0 s5, $0x0  }
0x1f: {  	s9 =	smul.u32 $0xF7A, s1;
	s8 =	simm.s32 @!p0 $0x1BF5;
	p2 =	por !p2, p0  }
0x20: {  	[sflag:s8] =	ssyncset.s32 @!p0 $0xFFFFF086;
	s6 =	sadd.s32 @!p0 s3, s7;
	s7 =	simm.s32 @!p0 $0x108  }
0x21: {  	s3 =	sadd.s32 s3, s9;
	s6 =	sadd.s32 @!p0 $0x88, s6;
	s7 =	simm.s32 @p2 $0x1082  }
0x22: {  	[simem:s7], [sflag:s8] =	dma.local @!p0 [hbm:s6], $0xF7A  }
0x23: {  	s9 =	sor.u32 $0xD0000000, s2;
	s6 =	simm.s32 $0x108;
	_ =	swait.ge @!p0 [sflag:s8], $0x0  }
0x24: {  	s3 =	sadd.s32 $0x88, s3;
	s6 =	simm.s32 @!p1 $0x1082;
	[sflag:s4] =	ssyncset.s32 $0xFFFFF086  }
0x25: {  	[simem:s6], [sflag:s4] =	dma.local [hbm:s3], $0xF7A  }
0x26: {  	[smem:$0x3F91] =	sst s1;
	(tag) =	ssettag s2;
	_ =	strace s9  }
0x27: {  	s1 =	sld [smem:$0x3FA1]  }
0x28: {  	s2 =	sld [smem:$0x3FA2]  }
0x29: {  	s4 =	sld [smem:$0x3FA4]  }
0x2a: {  	p0 =	seq.s32 s5, $0x0;
	s5 =	sld [smem:$0x3FA5]  }
0x2b: {  	s6 =	sld [smem:$0x3FA6]  }
0x2c: {  	s7 =	sld [smem:$0x3FA7]  }
0x2d: {  	s3 =	simm.s32 $0x108;
	s8 =	sld [smem:$0x3FA8]  }
0x2e: {  	s3 =	simm.s32 @!p0 $0x1082;
	s9 =	sld [smem:$0x3FA9]  }
0x2f: {  	lr =	sadd.s32 s0, s3;
	s0 =	sld [smem:$0x3FA0]  }
0x30: {  	s3 =	sld [smem:$0x3FA3]  }
0x31: {  	[smem:$0x3FAC] =	sst s10  }
0x32: {  	s10 =	sld [smem:$0x3FAA];
	_ =	sdelay $0x3  }
0x33: {  	p0 =	seq.s32 s10, $0x1;
	s10 =	sld [smem:$0x3FAC];
	_ =	sdelay $0x3  }
0x34: {  	[smem:$0x3FAC] =	sst s10  }
0x35: {  	s10 =	sld [smem:$0x3FAB];
	_ =	sdelay $0x3  }
0x36: {  	p1 =	seq.s32 s10, $0x1;
	s10 =	sld [smem:$0x3FAC];
	_ =	sdelay $0x3  }
0x37: {  	[smem:$0x3FAC] =	sst s10  }
0x38: {  	s10 =	sld [smem:$0x3FAD]  }
0x39: {  	_ = 	snop;
	(pc) =	sbr.ind lr, $3  }
0x3a: {  	_ = 	snop  }
0x3b: {  	_ = 	snop  }
0x3c: {  	p2 =	seq.s32 s10, $0x1;
	s10 =	sld [smem:$0x3FAC]  }
0x3d: {  	_ =	shalt  }
0x3e: {  	_ =	shalt  }
0x3f: {  	_ =	shalt  }
0x40: {  	_ =	shalt  }
0x41: {  	_ =	shalt  }
0x42: {  	_ =	shalt  }
0x43: {  	_ =	shalt  }
0x44: {  	_ =	shalt  }
0x45: {  	_ =	shalt  }
0x46: {  	_ =	shalt  }
0x47: {  	_ =	shalt  }
0x48: {  	_ =	shalt  }
0x49: {  	_ =	shalt  }
0x4a: {  	_ =	shalt  }
0x4b: {  	_ =	shalt  }
0x4c: {  	_ =	shalt  }
0x4d: {  	_ =	shalt  }
0x4e: {  	_ =	shalt  }
0x4f: {  	_ =	shalt  }
0x50: {  	_ =	shalt  }
0x51: {  	_ =	shalt  }
0x52: {  	_ =	shalt  }
0x53: {  	_ =	shalt  }
0x54: {  	_ =	shalt  }
0x55: {  	_ =	shalt  }
0x56: {  	_ =	shalt  }
0x57: {  	_ =	shalt  }
0x58: {  	_ =	shalt  }
0x59: {  	_ =	shalt  }
0x5a: {  	_ =	shalt  }
0x5b: {  	_ =	shalt  }
0x5c: {  	_ =	shalt  }
0x5d: {  	_ =	shalt  }
0x5e: {  	_ =	shalt  }
0x5f: {  	_ =	shalt  }
0x60: {  	_ =	shalt  }
0x61: {  	_ =	shalt  }
0x62: {  	_ =	shalt  }
0x63: {  	_ =	shalt  }
0x64: {  	_ =	shalt  }
0x65: {  	_ =	shalt  }
0x66: {  	_ =	shalt  }
0x67: {  	_ =	shalt  }
0x68: {  	_ =	shalt  }
0x69: {  	_ =	shalt  }
0x6a: {  	_ =	shalt  }
0x6b: {  	_ =	shalt  }
0x6c: {  	_ =	shalt  }
0x6d: {  	_ =	shalt  }
0x6e: {  	_ =	shalt  }
0x6f: {  	_ =	shalt  }
0x70: {  	_ =	shalt  }
0x71: {  	_ =	shalt  }
0x72: {  	_ =	shalt  }
0x73: {  	_ =	shalt  }
0x74: {  	_ =	shalt  }
0x75: {  	_ =	shalt  }
0x76: {  	_ =	shalt  }
0x77: {  	_ =	shalt  }
0x78: {  	_ =	shalt  }
0x79: {  	_ =	shalt  }
0x7a: {  	_ =	shalt  }
0x7b: {  	_ =	shalt  }
0x7c: {  	_ =	shalt  }
0x7d: {  	_ =	shalt  }
0x7e: {  	_ =	shalt  }
0x7f: {  	_ =	shalt  }
0x80: {  	_ =	shalt  }
0x81: {  	_ =	shalt  }
0x82: {  	_ =	shalt  }
0x83: {  	_ =	shalt  }
0x84: {  	_ =	shalt  }
0x85: {  	_ =	shalt  }
0x86: {  	_ =	shalt  }
0x87: {  	_ =	shalt  }
.Lfunc_end0:
.L_simem_size_0:
called_computation.1_lowered:
.L_overlay_start_0:
0x88: {  	s2 =	sld [smem:$0x3FD9]  }
0x89: {  	s3 =	sld [smem:$0x3FFE];
	_ =	sdelay $0x1  }
0x8a: {  	s1 =	srdreg.scid  }
0x8b: {  	s0 =	sand.u32 $0x1, s1  }
0x8c: {  	s16 =	sshll.u32 s0, $0xA;
	s2 =	sadd.s32 s3, s2  }
0x8d: {  	s2 =	sadd.s32 s2, s16  }
0x8e: {  	[smem:$0x3FB8] =	sst s2  }
0x8f: {  	_ = 	snop  }
0x90: {  	(tm) =	ssettm $0x1  }
0x91: {  	s17 =	sld [smem:$0x3FFB];
	_ =	sdelay $0x3  }
0x92: {  	_ =	strace s17  }
0x93: {  	s2 =	sld [smem:$0x3FFC];
	_ =	sdelay $0x3  }
0x94: {  	_ =	strace s2  }
0x95: {  	s2 =	sld [smem:$0x3FFD];
	_ =	sdelay $0x3  }
0x96: {  	_ =	strace s2  }
0x97: {  	_ =	strace $0x8FFFFFFF  }
0x98: {  	s18 =	sld [smem:$0x3FDB];
	_ =	sdelay $0x1  }
0x99: {  	s19 =	simm.s32 $_scs_section_size  }
0x9a: {  	s4 =	simm.s32 $_size__tile_overlayer_lowered;
	s5 =	simm.s32 $_tile_overlayer_lowered  }
0x9b: {  	s22 =	simm.s32 $0x1BFF;
	s21 =	sshll.u32 s5, $0x1;
	s2 =	sadd.s32 s19, s18  }
0x9c: {  	s6 =	simm.s32 $0x0;
	s20 =	sshll.u32 s4, $0x1;
	s4 =	sadd.s32 s21, s2  }
0x9d: {  	[timem:s6], [sflag:s22] =	dma.local [hbm:s4], s20  }
0x9e: {  	_ =	swait.ge [sflag:s22], s20  }
0x9f: {  	s3 =	ssub.s32 $0x0, s20;
	[sflag:s22] =	ssyncset.done $0x0  }
0xa0: {  	[sflag:s22] =	ssyncadd.s32 s3;
	_ =	sdelay $0x1  }
0xa1: {  	s23 =	simm.s32 $0x1B8B  }
0xa2: {  	_ =	swait.ge [sflag:s23], $0x1  }
0xa3: {  	[sflag:s23] =	ssyncset.done $0x0  }
0xa4: {  	s25 =	simm.s32 $0x1B8E;
	s24 =	sld [smem:$0x3FFE];
	[sflag:s23] =	ssyncadd.s32 $0xFFFFFFFF  }
0xa5: {  	s26 =	simm.s32 $execute0_lowered;
	[smem:$0x3FD2] =	sst s25  }
0xa6: {  	s4 =	sshll.u32 s26, $0x1;
	_ =	strace $0x80000049;
	[dreg:$0x1] =	wrdreg $0xFFFFFFFF  }
0xa7: {  	s28 =	simm.s32 $_size_execute0_lowered;
	s2 =	sadd.s32 s2, s4;
	[dreg:$0x0] =	wrdreg $0x0  }
0xa8: {  	s4 =	sshll.u32 s28, $0x1;
	[dreg:$0x2] =	wrdreg s2  }
0xa9: {  	[dreg:$0x3] =	wrdreg s4  }
0xaa: {  	[dreg:$0x4] =	wrdreg $0xC0  }
0xab: {  	_ =	task [dreg:s6], $0x5FFFF  }
0xac: {  	[dreg:$0x1] =	wrdreg $0xFFFFFFFF  }
0xad: {  	[dreg:$0x0] =	wrdreg $0x60  }
0xae: {  	[dreg:$0x2] =	wrdreg s24  }
0xaf: {  	[dreg:$0x3] =	wrdreg $0xB7800  }
0xb0: {  	[dreg:$0x4] =	wrdreg $0x9  }
0xb1: {  	_ =	task.clear_ibuf [dreg:s6], $0x5FFFF;
	_ =	strace $0x90000049  }
0xb2: {  	s29 =	simm.s32 $0x9;
	_ =	strace $0x8000004B  }
0xb3: {  	_ =	swait.ge [sflag:s29], $0x1  }
0xb4: {  	[sflag:s29] =	ssyncadd.s32 $0xFFFFFFFF  }
0xb5: {  	_ =	strace $0x9000004B  }
0xb6: {  	_ =	sfence  }
0xb7: {  	s30 =	sld [smem:$0x0];
	_ =	sdelay $0x2  }
0xb8: {  	s31 =	sshll.u32 s1, $0xD;
	s1 =	sshrl.u32 s1, $0x2  }
0xb9: {  	s3 =	sand.u32 $0x4000, s31;
	s1 =	sadd.s32 s1, s30  }
0xba: {  	s0 =	sor.u32 s3, s0;
	s1 =	sshll.u32 s1, $0x11  }
0xbb: {  	s0 =	sor.u32 s1, s0  }
0xbc: {  	s0 =	sadd.s32 $0x8F2B, s0  }
0xbd: {  	[sflag:s0] =	ssyncadd.remote.s32 $0x1  }
0xbe: {  	_ =	sfence.sel $0xFFFF  }
0xbf: {  	[dreg:$0x0] =	wrdreg $0xFFFFFFFF;
	(pc) =	sbr.abs _section_cstart, $3  }
0xc0: {  	[dreg:$0x1] =	wrdreg $0xFFFFFFFF  }
0xc1: {  	_ =	task.clear_ibuf [dreg:s6], $0x2FFFF;
	_ =	strace $0x9FFFFFFF  }
0xc2: {  	(tm) =	ssettm $0x7FFFFFFF  }
0xc3: {  	_ =	shalt  }
tec
execute0_lowered:
.L_overlay_start_1:
0x0: {  	(tag) =	ssettag $0x1  }
0x1: {  	s5 =	rddreg [dreg:$0x0];
	s1 =	srdreg.scid  }
0x2: {  	s0 =	stileid.u32;
	s2 =	rddreg [dreg:$0x1];
	s3 =	simm.s32 $0x0  }
0x3: {  	s13 =	simm.s32 $0x8F80;
	s16 =	simm.s32 $0x1;
	s17 =	simm.s32 $0x2  }
0x4: {  	s18 =	simm.s32 $0x6480;
	s19 =	simm.s32 $0x26C0;
	s20 =	simm.s32 $0x6500  }
0x5: {  	s21 =	simm.s32 $0x6580;
	s6 =	sand.u32 $0x1, s1;
	s1 =	rddreg [dreg:$0x2]  }
0x6: {  	s4 =	sshll.u32 s0, $0x1;
	[smem:$0x7FF] =	sst s3;
	s22 =	smul.u32 $0x2800, s0  }
0x7: {  	s10 =	smul.u32 $0x50000, s0;
	s14 =	sshll.u32 s0, $0x6;
	s7 =	sor.u32 s6, s4  }
0x8: {  	_ =	strace $0x8000004A;
	s4 =	sadd.s32 $0x1DE00, s5;
	s9 =	smul.u32 $0x28000, s6  }
0x9: {  	s6 =	ssub.s32 $0x2, s6;
	s14 =	sor.u32 $0x1C03, s14;
	s8 =	smul.u32 $0x4E2, s7  }
0xa: {  	s7 =	sshll.u32 s7, $0xB;
	s11 =	sadd.s32 s22, s5;
	s30 =	sshrl.u32 s6, $0x1  }
0xb: {  	s31 =	sshrl.u32 s10, $0x2;
	s10 =	simm.s32 $0x2780;
	s7 =	sadd.s32 s7, s5  }
0xc: {  	s9 =	sadd.s32 s9, s5;
	s12 =	ssub.s32 s6, s30;
	s15 =	sadd.s32 s31, s2  }
0xd: {  	s8 =	sadd.s32 s8, s5;
	s6 =	sadd.s32 $0xDE00, s7;
	s7 =	sadd.s32 $0x45000, s11  }
0xe: {  	s23 =	sadd.s32 $0x6D000, s9;
	s9 =	simm.s32 $0x3;
	s11 =	simm.s32 $0x50  }
0xf: {  	s15 =	sshrl.u32 s15, $0x3;
	s5 =	sadd.s32 $0x4000, s8;
	s8 =	smax.u32 s12, $0x1  }
0x10: {  	s12 =	simm.s32 $0x6780;
	s22 =	sadd.s32 s22, s23;
	s23 =	simm.s32 $0x0  }
.LBB2_1:
0x11: {  	[tilespmem:s3], [sflag:$0x3] =	stream.linear.gather [hbm4b:s5+s3], $0x2710, $0x38;
	[tilespmem:$0x1F780] =	vst v63  }
0x12: {  	_ =	swait.ge [sflag:s9], $0x2710  }
0x13: {  	[sflag:s9] =	ssyncset.done $0x0  }
0x14: {  	[sflag:s9] =	ssyncadd.s32 $0xFFFFD8F0  }
0x15: {  	[tilespmem:s10], [sflag:$0x3] =	stream.linear.gather [hbm4b:s6+s3], $0x3E80, $0x38;
	[tilespmem:$0x1F780] =	vst v63  }
0x16: {  	_ =	swait.ge [sflag:s9], $0x3E80  }
0x17: {  	[sflag:s9] =	ssyncset.done $0x0  }
0x18: {  	[sflag:s9] =	ssyncadd.s32 $0xFFFFC180  }
0x19: {  	[tilespmem:s12], [sflag:$0x1] =	stream.indirect.gather [hbm4b:s4+s11], $0x80, s3, s11, $0xb8;
	[tilespmem:$0x1F780] =	vst v63  }
0x1a: {  	_ = 	snop  }
0x1b: {  	[tilespmem:s13], [sflag:$0x2] =	stream.indirect.gather [hbm4b:s4+s11], $0x80, s11, s11, $0xb8;
	[tilespmem:$0x1F780] =	vst v63  }
0x1c: {  	[spmem:s15], [sflag:s14] =	dma.local [hbm:s7], $0x2800  }
0x1d: {  	_ =	swait.ge [sflag:s9], $0x2800  }
0x1e: {  	[sflag:s9] =	ssyncset.done $0x0  }
0x1f: {  	[sflag:s9] =	ssyncadd.s32 $0xFFFFD800  }
0x20: {  	[bflag:$0x0] =	sbarrier.arrive $0xFFFF  }
0x21: {  	_ =	swait.ge [sflag:s16], $0x2800  }
0x22: {  	[sflag:s16] =	ssyncset.done $0x0  }
0x23: {  	s24 =	simm.s32 $0x2780;
	[sflag:s16] =	ssyncadd.s32 $0xFFFFD800  }
0x24: {  	[spmem:s2] =	stream.indirect.scatter.add.f32 [tilespmem:s12], [sflag:$0x3], $0x80, s24, s11, $0xb8;
	[tilespmem:$0x1F780] =	vst v63  }
0x25: {  	_ =	swait.ge [sflag:s9], $0x2800  }
0x26: {  	[sflag:s9] =	ssyncset.done $0x0  }
0x27: {  	s30 =	simm.s32 $0xA0;
	[sflag:s9] =	ssyncadd.s32 $0xFFFFD800  }
0x28: {  	[tilespmem:s12], [sflag:$0x1] =	stream.indirect.gather [hbm4b:s4+s11], $0x80, s30, s11, $0xb8;
	[tilespmem:$0x1F780] =	vst v63  }
0x29: {  	_ =	swait.ge [sflag:s17], $0x2800  }
0x2a: {  	[sflag:s17] =	ssyncset.done $0x0  }
0x2b: {  	s31 =	simm.s32 $0x2800;
	[sflag:s17] =	ssyncadd.s32 $0xFFFFD800  }
0x2c: {  	[spmem:s2] =	stream.indirect.scatter.add.f32 [tilespmem:s13], [sflag:$0x3], $0x80, s31, s11, $0xb8;
	[tilespmem:$0x1F780] =	vst v63  }
0x2d: {  	_ =	swait.ge [sflag:s9], $0x2800  }
0x2e: {  	s25 =	simm.s32 $0x400;
	[sflag:s9] =	ssyncset.done $0x0  }
0x2f: {  	s26 =	simm.s32 $0x190;
	s24 =	simm.s32 $0xF0;
	[sflag:s9] =	ssyncadd.s32 $0xFFFFD800  }
.LBB2_2:
0x30: {  	[tilespmem:s13], [sflag:$0x2] =	stream.indirect.gather [hbm4b:s4+s11], $0x80, s24, s11, $0xb8;
	[tilespmem:$0x1F780] =	vst v63  }
0x31: {  	s28 =	smov.u32 s25;
	s24 =	smov.u32 s26  }
0x32: {  	p0 =	sne.s32 s25, $0xF000;
	s25 =	sadd.s32 $0x400, s25;
	_ =	swait.ge [sflag:s16], $0x2800  }
0x33: {  	s28 =	sshra.s32 s28, $0x2;
	[sflag:s16] =	ssyncset.done $0x0  }
0x34: {  	s29 =	sadd.s32 $0x2780, s28;
	[sflag:s16] =	ssyncadd.s32 $0xFFFFD800  }
0x35: {  	[spmem:s2] =	stream.indirect.scatter.add.f32 [tilespmem:s12], [sflag:$0x3], $0x80, s29, s11, $0xb8;
	[tilespmem:$0x1F780] =	vst v63  }
0x36: {  	_ =	swait.ge [sflag:s9], $0x2800  }
0x37: {  	[sflag:s9] =	ssyncset.done $0x0  }
0x38: {  	s29 =	sadd.s32 $0xFFFFFFB0, s26;
	[sflag:s9] =	ssyncadd.s32 $0xFFFFD800  }
0x39: {  	[tilespmem:s12], [sflag:$0x1] =	stream.indirect.gather [hbm4b:s4+s11], $0x80, s29, s11, $0xb8;
	[tilespmem:$0x1F780] =	vst v63  }
0x3a: {  	_ =	swait.ge [sflag:s17], $0x2800  }
0x3b: {  	[sflag:s17] =	ssyncset.done $0x0  }
.Ltmp0:
0x3c: {  	s28 =	sadd.s32 $0x2800, s28;
	[sflag:s17] =	ssyncadd.s32 $0xFFFFD800;
	(pc) =	sbr.rel @p0 .LBB2_2-.Ltmp0, $4  }
0x3d: {  	[spmem:s2] =	stream.indirect.scatter.add.f32 [tilespmem:s13], [sflag:$0x3], $0x80, s28, s11, $0xb8;
	[tilespmem:$0x1F780] =	vst v63  }
0x3e: {  	_ =	swait.ge [sflag:s9], $0x2800  }
0x3f: {  	[sflag:s9] =	ssyncset.done $0x0  }
0x40: {  	s26 =	sadd.s32 $0xA0, s26;
	[sflag:s9] =	ssyncadd.s32 $0xFFFFD800  }
0x41: {  	[tilespmem:s13], [sflag:$0x2] =	stream.indirect.gather [hbm4b:s4+s11], $0x80, s24, s11, $0xb8;
	[tilespmem:$0x1F780] =	vst v63  }
0x42: {  	_ =	swait.ge [sflag:s16], $0x2800  }
0x43: {  	[sflag:s16] =	ssyncset.done $0x0  }
0x44: {  	[sflag:s16] =	ssyncadd.s32 $0xFFFFD800  }
0x45: {  	[spmem:s2] =	stream.indirect.scatter.add.f32 [tilespmem:s12], [sflag:$0x3], $0x80, s18, s11, $0xb8;
	[tilespmem:$0x1F780] =	vst v63  }
0x46: {  	_ =	swait.ge [sflag:s9], $0x2800  }
0x47: {  	[sflag:s9] =	ssyncset.done $0x0  }
0x48: {  	[sflag:s9] =	ssyncadd.s32 $0xFFFFD800  }
0x49: {  	[tilespmem:s12], [sflag:$0x1] =	stream.indirect.gather [hbm4b:s4+s11], $0x80, s19, s11, $0xb8;
	[tilespmem:$0x1F780] =	vst v63  }
0x4a: {  	_ =	swait.ge [sflag:s17], $0x2800  }
0x4b: {  	[sflag:s17] =	ssyncset.done $0x0  }
0x4c: {  	[sflag:s17] =	ssyncadd.s32 $0xFFFFD800  }
0x4d: {  	[spmem:s2] =	stream.indirect.scatter.add.f32 [tilespmem:s13], [sflag:$0x3], $0x80, s20, s11, $0xb8;
	[tilespmem:$0x1F780] =	vst v63  }
0x4e: {  	_ =	swait.ge [sflag:s9], $0x2800  }
0x4f: {  	[sflag:s9] =	ssyncset.done $0x0  }
0x50: {  	[sflag:s9] =	ssyncadd.s32 $0xFFFFD800  }
0x51: {  	_ =	swait.ge [sflag:s16], $0x2800  }
0x52: {  	[sflag:s16] =	ssyncset.done $0x0  }
0x53: {  	[sflag:s16] =	ssyncadd.s32 $0xFFFFD800  }
0x54: {  	[spmem:s2] =	stream.indirect.scatter.add.f32 [tilespmem:s12], [sflag:$0x3], $0x80, s21, s11, $0xb8;
	[tilespmem:$0x1F780] =	vst v63  }
0x55: {  	_ =	swait.ge [sflag:s9], $0x2800  }
0x56: {  	s23 =	sadd.s32 $0x1, s23;
	[sflag:s9] =	ssyncset.done $0x0  }
0x57: {  	p0 =	sne.s32 s23, s8;
	[sflag:s9] =	ssyncadd.s32 $0xFFFFD800  }
.Ltmp1:
0x58: {  	[bflag:$0x0] =	sbarrier.arrive $0xFFFF;
	(pc) =	sbr.rel @p0 .LBB2_1-.Ltmp1, $4  }
0x59: {  	[hbm:s22], [sflag:s14] =	dma.local [spmem:s15], $0x2800  }
0x5a: {  	_ =	swait.ge [sflag:s9], $0x2800  }
0x5b: {  	[sflag:s9] =	ssyncset.done $0x0  }
0x5c: {  	[sflag:s9] =	ssyncadd.s32 $0xFFFFD800  }
0x5d: {  	_ =	sfence.sel $0x180000  }
0x5e: {  	[bflag:$0x0] =	sbarrier.arrive $0xFFFF  }
0x5f: {  	p0 =	sne.s32 s0, $0x0;
	_ =	strace $0x9000004A  }
0x60: {  	s0 =	sadd.s32 @!p0 $0x100000, s1;
	[bflag:$0x2] =	sbarrier.arrive $0xFFFF  }
0x61: {  	[sflag:s0] =	ssyncadd.tile.s32 @!p0 $0x1;
	_ =	shalt  }
.Lfunc_end2:
_tile_overlayer_lowered:
.L_overlay_start_2:
0x62: {  	(tag) =	ssettag $0x2  }
0x63: {  	s0 =	rddreg [dreg:$0x0];
	s2 =	stileid.u32  }
0x64: {  	s1 =	rddreg [dreg:$0x1];
	p0 =	sne.s32 s2, $0x0  }
0x65: {  	s3 =	rddreg [dreg:$0x2];
	[bflag:$0x3] =	sbarrier.arrive $0xFFFF;
	s2 =	simm.s32 @!p0 $0x1C03  }
0x66: {  	[timem:s3], [sflag:s2] =	dma.local @!p0 [hbm:s0], s1  }
0x67: {  	s0 =	simm.s32 @!p0 $0x3  }
0x68: {  	_ =	swait.ge @!p0 [sflag:s0], s1  }
0x69: {  	s1 =	ssub.s32 @!p0 $0x0, s1;
	[sflag:s0] =	ssyncset.done @!p0 $0x0  }
0x6a: {  	[sflag:s0] =	ssyncadd.s32 @!p0 s1  }
0x6b: {  	[bflag:$0x3] =	sbarrier.arrive $0xFFFF  }
0x6c: {  	_ =	shalt  }

// kernel: kernel.15.cloned.1.call-start
scs
__scs_entry_jumppad:
0x0: {  	(pc) =	sbr.rel $0x88, $3  }
0x1: {  	(tag) =	ssettag $0x0;
	lr =	simm.s32 $0x1  }
0x2: {  	[smem:$0x3F91] =	sst lr;
	_ =	strace $0xD0000000  }
0x3: {  	_ = 	snop  }
0x4: {  	_ = 	snop  }
0x5: {  	_ = 	snop  }
0x6: {  	_ = 	snop  }
0x7: {  	_ = 	snop  }
__scs_overlays_trampoline_lowered:
0x8: {  	[smem:$0x3FA0] =	sst s0  }
0x9: {  	[smem:$0x3FA1] =	sst s1  }
0xa: {  	[smem:$0x3FA2] =	sst s2  }
0xb: {  	[smem:$0x3FA3] =	sst s3  }
0xc: {  	[smem:$0x3FA4] =	sst s4  }
0xd: {  	[smem:$0x3FA5] =	sst s5  }
0xe: {  	[smem:$0x3FA6] =	sst s6  }
0xf: {  	[smem:$0x3FA7] =	sst s7  }
0x10: {  	[smem:$0x3FA8] =	sst s8  }
0x11: {  	[smem:$0x3FA9] =	sst s9;
	s0 =	simm.s32 @!p0 $0x0  }
0x12: {  	s1 =	sld [smem:$0x3F8F];
	s0 =	simm.s32 @p0 $0x1  }
0x13: {  	[smem:$0x3FAA] =	sst s0;
	s0 =	simm.s32 @!p1 $0x0  }
0x14: {  	s2 =	sld [smem:$0x3F8E];
	s0 =	simm.s32 @p1 $0x1  }
0x15: {  	[smem:$0x3FAB] =	sst s0;
	s0 =	simm.s32 @!p2 $0x0  }
0x16: {  	s3 =	sld [smem:$0x3FDB];
	s0 =	simm.s32 @p2 $0x1  }
0x17: {  	s4 =	simm.s32 $0x1BF5;
	[smem:$0x3FAD] =	sst s0  }
0x18: {  	s0 =	sld [smem:$0x3F90];
	_ =	swait.ge [sflag:s4], $0x0  }
0x19: {  	s7 =	sld [smem:$0x3F91]  }
0x1a: {  	s8 =	sadd.s32 $0xFFFFE003, lr  }
0x1b: {  	s9 =	sadd.s32 $0xFFFFFEF7, lr;
	s5 =	simm.s32 $0xFFFFFFFF;
	p2 =	slt.u32 s8, $0xFFFFF086  }
0x1c: {  	p1 =	slt.u32 s9, $0xF7A;
	s5 =	simm.s32 @!p2 $0x0  }
0x1d: {  	s5 =	simm.s32 @p1 $0x1;
	p0 =	seq.s32 s7, s2  }
0x1e: {  	s7 =	smul.u32 @!p0 $0xF7A, s2;
	p2 =	seq.s32 @!p0 s5, $0x0  }
0x1f: {  	s9 =	smul.u32 $0xF7A, s1;
	s8 =	simm.s32 @!p0 $0x1BF5;
	p2 =	por !p2, p0  }
0x20: {  	[sflag:s8] =	ssyncset.s32 @!p0 $0xFFFFF086;
	s6 =	sadd.s32 @!p0 s3, s7;
	s7 =	simm.s32 @!p0 $0x108  }
0x21: {  	s3 =	sadd.s32 s3, s9;
	s6 =	sadd.s32 @!p0 $0x88, s6;
	s7 =	simm.s32 @p2 $0x1082  }
0x22: {  	[simem:s7], [sflag:s8] =	dma.local @!p0 [hbm:s6], $0xF7A  }
0x23: {  	s9 =	sor.u32 $0xD0000000, s2;
	s6 =	simm.s32 $0x108;
	_ =	swait.ge @!p0 [sflag:s8], $0x0  }
0x24: {  	s3 =	sadd.s32 $0x88, s3;
	s6 =	simm.s32 @!p1 $0x1082;
	[sflag:s4] =	ssyncset.s32 $0xFFFFF086  }
0x25: {  	[simem:s6], [sflag:s4] =	dma.local [hbm:s3], $0xF7A  }
0x26: {  	[smem:$0x3F91] =	sst s1;
	(tag) =	ssettag s2;
	_ =	strace s9  }
0x27: {  	s1 =	sld [smem:$0x3FA1]  }
0x28: {  	s2 =	sld [smem:$0x3FA2]  }
0x29: {  	s4 =	sld [smem:$0x3FA4]  }
0x2a: {  	p0 =	seq.s32 s5, $0x0;
	s5 =	sld [smem:$0x3FA5]  }
0x2b: {  	s6 =	sld [smem:$0x3FA6]  }
0x2c: {  	s7 =	sld [smem:$0x3FA7]  }
0x2d: {  	s3 =	simm.s32 $0x108;
	s8 =	sld [smem:$0x3FA8]  }
0x2e: {  	s3 =	simm.s32 @!p0 $0x1082;
	s9 =	sld [smem:$0x3FA9]  }
0x2f: {  	lr =	sadd.s32 s0, s3;
	s0 =	sld [smem:$0x3FA0]  }
0x30: {  	s3 =	sld [smem:$0x3FA3]  }
0x31: {  	[smem:$0x3FAC] =	sst s10  }
0x32: {  	s10 =	sld [smem:$0x3FAA];
	_ =	sdelay $0x3  }
0x33: {  	p0 =	seq.s32 s10, $0x1;
	s10 =	sld [smem:$0x3FAC];
	_ =	sdelay $0x3  }
0x34: {  	[smem:$0x3FAC] =	sst s10  }
0x35: {  	s10 =	sld [smem:$0x3FAB];
	_ =	sdelay $0x3  }
0x36: {  	p1 =	seq.s32 s10, $0x1;
	s10 =	sld [smem:$0x3FAC];
	_ =	sdelay $0x3  }
0x37: {  	[smem:$0x3FAC] =	sst s10  }
0x38: {  	s10 =	sld [smem:$0x3FAD]  }
0x39: {  	_ = 	snop;
	(pc) =	sbr.ind lr, $3  }
0x3a: {  	_ = 	snop  }
0x3b: {  	_ = 	snop  }
0x3c: {  	p2 =	seq.s32 s10, $0x1;
	s10 =	sld [smem:$0x3FAC]  }
0x3d: {  	_ =	shalt  }
0x3e: {  	_ =	shalt  }
0x3f: {  	_ =	shalt  }
0x40: {  	_ =	shalt  }
0x41: {  	_ =	shalt  }
0x42: {  	_ =	shalt  }
0x43: {  	_ =	shalt  }
0x44: {  	_ =	shalt  }
0x45: {  	_ =	shalt  }
0x46: {  	_ =	shalt  }
0x47: {  	_ =	shalt  }
0x48: {  	_ =	shalt  }
0x49: {  	_ =	shalt  }
0x4a: {  	_ =	shalt  }
0x4b: {  	_ =	shalt  }
0x4c: {  	_ =	shalt  }
0x4d: {  	_ =	shalt  }
0x4e: {  	_ =	shalt  }
0x4f: {  	_ =	shalt  }
0x50: {  	_ =	shalt  }
0x51: {  	_ =	shalt  }
0x52: {  	_ =	shalt  }
0x53: {  	_ =	shalt  }
0x54: {  	_ =	shalt  }
0x55: {  	_ =	shalt  }
0x56: {  	_ =	shalt  }
0x57: {  	_ =	shalt  }
0x58: {  	_ =	shalt  }
0x59: {  	_ =	shalt  }
0x5a: {  	_ =	shalt  }
0x5b: {  	_ =	shalt  }
0x5c: {  	_ =	shalt  }
0x5d: {  	_ =	shalt  }
0x5e: {  	_ =	shalt  }
0x5f: {  	_ =	shalt  }
0x60: {  	_ =	shalt  }
0x61: {  	_ =	shalt  }
0x62: {  	_ =	shalt  }
0x63: {  	_ =	shalt  }
0x64: {  	_ =	shalt  }
0x65: {  	_ =	shalt  }
0x66: {  	_ =	shalt  }
0x67: {  	_ =	shalt  }
0x68: {  	_ =	shalt  }
0x69: {  	_ =	shalt  }
0x6a: {  	_ =	shalt  }
0x6b: {  	_ =	shalt  }
0x6c: {  	_ =	shalt  }
0x6d: {  	_ =	shalt  }
0x6e: {  	_ =	shalt  }
0x6f: {  	_ =	shalt  }
0x70: {  	_ =	shalt  }
0x71: {  	_ =	shalt  }
0x72: {  	_ =	shalt  }
0x73: {  	_ =	shalt  }
0x74: {  	_ =	shalt  }
0x75: {  	_ =	shalt  }
0x76: {  	_ =	shalt  }
0x77: {  	_ =	shalt  }
0x78: {  	_ =	shalt  }
0x79: {  	_ =	shalt  }
0x7a: {  	_ =	shalt  }
0x7b: {  	_ =	shalt  }
0x7c: {  	_ =	shalt  }
0x7d: {  	_ =	shalt  }
0x7e: {  	_ =	shalt  }
0x7f: {  	_ =	shalt  }
0x80: {  	_ =	shalt  }
0x81: {  	_ =	shalt  }
0x82: {  	_ =	shalt  }
0x83: {  	_ =	shalt  }
0x84: {  	_ =	shalt  }
0x85: {  	_ =	shalt  }
0x86: {  	_ =	shalt  }
0x87: {  	_ =	shalt  }
.Lfunc_end0:
.L_simem_size_0:
called_computation.2_lowered:
.L_overlay_start_0:
0x88: {  	s2 =	sld [smem:$0x3FD9]  }
0x89: {  	s3 =	sld [smem:$0x3FFE];
	_ =	sdelay $0x1  }
0x8a: {  	s1 =	srdreg.scid  }
0x8b: {  	s0 =	sand.u32 $0x1, s1  }
0x8c: {  	s16 =	sshll.u32 s0, $0xA;
	s2 =	sadd.s32 s3, s2  }
0x8d: {  	s2 =	sadd.s32 s2, s16  }
0x8e: {  	[smem:$0x3FB8] =	sst s2  }
0x8f: {  	_ = 	snop  }
0x90: {  	(tm) =	ssettm $0x1  }
0x91: {  	s17 =	sld [smem:$0x3FFB];
	_ =	sdelay $0x3  }
0x92: {  	_ =	strace s17  }
0x93: {  	s2 =	sld [smem:$0x3FFC];
	_ =	sdelay $0x3  }
0x94: {  	_ =	strace s2  }
0x95: {  	s2 =	sld [smem:$0x3FFD];
	_ =	sdelay $0x3  }
0x96: {  	_ =	strace s2  }
0x97: {  	_ =	strace $0x8FFFFFFF  }
0x98: {  	s18 =	sld [smem:$0x3FDB];
	_ =	sdelay $0x1  }
0x99: {  	s19 =	simm.s32 $_scs_section_size  }
0x9a: {  	s4 =	simm.s32 $_size__tile_overlayer_lowered;
	s5 =	simm.s32 $_tile_overlayer_lowered  }
0x9b: {  	s22 =	simm.s32 $0x1BFF;
	s21 =	sshll.u32 s5, $0x1;
	s2 =	sadd.s32 s19, s18  }
0x9c: {  	s6 =	simm.s32 $0x0;
	s20 =	sshll.u32 s4, $0x1;
	s4 =	sadd.s32 s21, s2  }
0x9d: {  	[timem:s6], [sflag:s22] =	dma.local [hbm:s4], s20  }
0x9e: {  	_ =	swait.ge [sflag:s22], s20  }
0x9f: {  	s3 =	ssub.s32 $0x0, s20;
	[sflag:s22] =	ssyncset.done $0x0  }
0xa0: {  	[sflag:s22] =	ssyncadd.s32 s3;
	_ =	sdelay $0x1  }
0xa1: {  	s23 =	simm.s32 $0x1B8B  }
0xa2: {  	_ =	swait.ge [sflag:s23], $0x1  }
0xa3: {  	[sflag:s23] =	ssyncset.done $0x0  }
0xa4: {  	s25 =	simm.s32 $0x1B8E;
	s24 =	sld [smem:$0x3FFE];
	[sflag:s23] =	ssyncadd.s32 $0xFFFFFFFF  }
0xa5: {  	s26 =	simm.s32 $execute0_lowered;
	[smem:$0x3FD2] =	sst s25  }
0xa6: {  	s4 =	sshll.u32 s26, $0x1;
	_ =	strace $0x8000004C;
	[dreg:$0x1] =	wrdreg $0xFFFFFFFF  }
0xa7: {  	s28 =	simm.s32 $_size_execute0_lowered;
	s2 =	sadd.s32 s2, s4;
	[dreg:$0x0] =	wrdreg $0x0  }
0xa8: {  	s4 =	sshll.u32 s28, $0x1;
	[dreg:$0x2] =	wrdreg s2  }
0xa9: {  	[dreg:$0x3] =	wrdreg s4  }
0xaa: {  	[dreg:$0x4] =	wrdreg $0xC0  }
0xab: {  	_ =	task [dreg:s6], $0x5FFFF  }
0xac: {  	[dreg:$0x1] =	wrdreg $0xFFFFFFFF  }
0xad: {  	[dreg:$0x0] =	wrdreg $0x60  }
0xae: {  	[dreg:$0x2] =	wrdreg s24  }
0xaf: {  	[dreg:$0x3] =	wrdreg $0xB7800  }
0xb0: {  	[dreg:$0x4] =	wrdreg $0x9  }
0xb1: {  	_ =	task.clear_ibuf [dreg:s6], $0x5FFFF;
	_ =	strace $0x9000004C  }
0xb2: {  	s29 =	simm.s32 $0x9;
	_ =	strace $0x8000004E  }
0xb3: {  	_ =	swait.ge [sflag:s29], $0x1  }
0xb4: {  	[sflag:s29] =	ssyncadd.s32 $0xFFFFFFFF  }
0xb5: {  	_ =	strace $0x9000004E  }
0xb6: {  	_ =	sfence  }
0xb7: {  	s30 =	sld [smem:$0x0];
	_ =	sdelay $0x2  }
0xb8: {  	s31 =	sshll.u32 s1, $0xD;
	s1 =	sshrl.u32 s1, $0x2  }
0xb9: {  	s3 =	sand.u32 $0x4000, s31;
	s1 =	sadd.s32 s1, s30  }
0xba: {  	s0 =	sor.u32 s3, s0;
	s1 =	sshll.u32 s1, $0x11  }
0xbb: {  	s0 =	sor.u32 s1, s0  }
0xbc: {  	s0 =	sadd.s32 $0x8F2B, s0  }
0xbd: {  	[sflag:s0] =	ssyncadd.remote.s32 $0x1  }
0xbe: {  	_ =	sfence.sel $0xFFFF  }
0xbf: {  	[dreg:$0x0] =	wrdreg $0xFFFFFFFF;
	(pc) =	sbr.abs _section_cstart, $3  }
0xc0: {  	[dreg:$0x1] =	wrdreg $0xFFFFFFFF  }
0xc1: {  	_ =	task.clear_ibuf [dreg:s6], $0x2FFFF;
	_ =	strace $0x9FFFFFFF  }
0xc2: {  	(tm) =	ssettm $0x7FFFFFFF  }
0xc3: {  	_ =	shalt  }
tec
execute0_lowered:
.L_overlay_start_1:
0x0: {  	(tag) =	ssettag $0x1  }
0x1: {  	s5 =	rddreg [dreg:$0x0];
	s1 =	srdreg.scid  }
0x2: {  	s0 =	stileid.u32;
	s2 =	rddreg [dreg:$0x1];
	s3 =	simm.s32 $0x0  }
0x3: {  	s13 =	simm.s32 $0x8F80;
	s16 =	simm.s32 $0x1;
	s17 =	simm.s32 $0x2  }
0x4: {  	s18 =	simm.s32 $0x6480;
	s19 =	simm.s32 $0x26C0;
	s20 =	simm.s32 $0x6500  }
0x5: {  	s21 =	simm.s32 $0x6580;
	s6 =	sand.u32 $0x1, s1;
	s1 =	rddreg [dreg:$0x2]  }
0x6: {  	s4 =	sshll.u32 s0, $0x1;
	[smem:$0x7FF] =	sst s3;
	s22 =	smul.u32 $0x2800, s0  }
0x7: {  	s10 =	smul.u32 $0x50000, s0;
	s14 =	sshll.u32 s0, $0x6;
	s7 =	sor.u32 s6, s4  }
0x8: {  	_ =	strace $0x8000004D;
	s4 =	sadd.s32 $0x1DE00, s5;
	s9 =	smul.u32 $0x28000, s6  }
0x9: {  	s6 =	ssub.s32 $0x2, s6;
	s14 =	sor.u32 $0x1C03, s14;
	s8 =	smul.u32 $0x4E2, s7  }
0xa: {  	s7 =	sshll.u32 s7, $0xB;
	s11 =	sadd.s32 s22, s5;
	s30 =	sshrl.u32 s6, $0x1  }
0xb: {  	s31 =	sshrl.u32 s10, $0x2;
	s10 =	simm.s32 $0x2780;
	s7 =	sadd.s32 s7, s5  }
0xc: {  	s9 =	sadd.s32 s9, s5;
	s12 =	ssub.s32 s6, s30;
	s15 =	sadd.s32 s31, s2  }
0xd: {  	s8 =	sadd.s32 s8, s5;
	s6 =	sadd.s32 $0xDE00, s7;
	s7 =	sadd.s32 $0x45000, s11  }
0xe: {  	s23 =	sadd.s32 $0x6D000, s9;
	s9 =	simm.s32 $0x3;
	s11 =	simm.s32 $0x50  }
0xf: {  	s15 =	sshrl.u32 s15, $0x3;
	s5 =	sadd.s32 $0x4000, s8;
	s8 =	smax.u32 s12, $0x1  }
0x10: {  	s12 =	simm.s32 $0x6780;
	s22 =	sadd.s32 s22, s23;
	s23 =	simm.s32 $0x0  }
.LBB2_1:
0x11: {  	[tilespmem:s3], [sflag:$0x3] =	stream.linear.gather [hbm4b:s5+s3], $0x2710, $0x38;
	[tilespmem:$0x1F780] =	vst v63  }
0x12: {  	_ =	swait.ge [sflag:s9], $0x2710  }
0x13: {  	[sflag:s9] =	ssyncset.done $0x0  }
0x14: {  	[sflag:s9] =	ssyncadd.s32 $0xFFFFD8F0  }
0x15: {  	[tilespmem:s10], [sflag:$0x3] =	stream.linear.gather [hbm4b:s6+s3], $0x3E80, $0x38;
	[tilespmem:$0x1F780] =	vst v63  }
0x16: {  	_ =	swait.ge [sflag:s9], $0x3E80  }
0x17: {  	[sflag:s9] =	ssyncset.done $0x0  }
0x18: {  	[sflag:s9] =	ssyncadd.s32 $0xFFFFC180  }
0x19: {  	[tilespmem:s12], [sflag:$0x1] =	stream.indirect.gather [hbm4b:s4+s11], $0x80, s3, s11, $0xb8;
	[tilespmem:$0x1F780] =	vst v63  }
0x1a: {  	_ = 	snop  }
0x1b: {  	[tilespmem:s13], [sflag:$0x2] =	stream.indirect.gather [hbm4b:s4+s11], $0x80, s11, s11, $0xb8;
	[tilespmem:$0x1F780] =	vst v63  }
0x1c: {  	[spmem:s15], [sflag:s14] =	dma.local [hbm:s7], $0x2800  }
0x1d: {  	_ =	swait.ge [sflag:s9], $0x2800  }
0x1e: {  	[sflag:s9] =	ssyncset.done $0x0  }
0x1f: {  	[sflag:s9] =	ssyncadd.s32 $0xFFFFD800  }
0x20: {  	[bflag:$0x0] =	sbarrier.arrive $0xFFFF  }
0x21: {  	_ =	swait.ge [sflag:s16], $0x2800  }
0x22: {  	[sflag:s16] =	ssyncset.done $0x0  }
0x23: {  	s24 =	simm.s32 $0x2780;
	[sflag:s16] =	ssyncadd.s32 $0xFFFFD800  }
0x24: {  	[spmem:s2] =	stream.indirect.scatter.add.f32 [tilespmem:s12], [sflag:$0x3], $0x80, s24, s11, $0xb8;
	[tilespmem:$0x1F780] =	vst v63  }
0x25: {  	_ =	swait.ge [sflag:s9], $0x2800  }
0x26: {  	[sflag:s9] =	ssyncset.done $0x0  }
0x27: {  	s30 =	simm.s32 $0xA0;
	[sflag:s9] =	ssyncadd.s32 $0xFFFFD800  }
0x28: {  	[tilespmem:s12], [sflag:$0x1] =	stream.indirect.gather [hbm4b:s4+s11], $0x80, s30, s11, $0xb8;
	[tilespmem:$0x1F780] =	vst v63  }
0x29: {  	_ =	swait.ge [sflag:s17], $0x2800  }
0x2a: {  	[sflag:s17] =	ssyncset.done $0x0  }
0x2b: {  	s31 =	simm.s32 $0x2800;
	[sflag:s17] =	ssyncadd.s32 $0xFFFFD800  }
0x2c: {  	[spmem:s2] =	stream.indirect.scatter.add.f32 [tilespmem:s13], [sflag:$0x3], $0x80, s31, s11, $0xb8;
	[tilespmem:$0x1F780] =	vst v63  }
0x2d: {  	_ =	swait.ge [sflag:s9], $0x2800  }
0x2e: {  	s25 =	simm.s32 $0x400;
	[sflag:s9] =	ssyncset.done $0x0  }
0x2f: {  	s26 =	simm.s32 $0x190;
	s24 =	simm.s32 $0xF0;
	[sflag:s9] =	ssyncadd.s32 $0xFFFFD800  }
.LBB2_2:
0x30: {  	[tilespmem:s13], [sflag:$0x2] =	stream.indirect.gather [hbm4b:s4+s11], $0x80, s24, s11, $0xb8;
	[tilespmem:$0x1F780] =	vst v63  }
0x31: {  	s28 =	smov.u32 s25;
	s24 =	smov.u32 s26  }
0x32: {  	p0 =	sne.s32 s25, $0xF000;
	s25 =	sadd.s32 $0x400, s25;
	_ =	swait.ge [sflag:s16], $0x2800  }
0x33: {  	s28 =	sshra.s32 s28, $0x2;
	[sflag:s16] =	ssyncset.done $0x0  }
0x34: {  	s29 =	sadd.s32 $0x2780, s28;
	[sflag:s16] =	ssyncadd.s32 $0xFFFFD800  }
0x35: {  	[spmem:s2] =	stream.indirect.scatter.add.f32 [tilespmem:s12], [sflag:$0x3], $0x80, s29, s11, $0xb8;
	[tilespmem:$0x1F780] =	vst v63  }
0x36: {  	_ =	swait.ge [sflag:s9], $0x2800  }
0x37: {  	[sflag:s9] =	ssyncset.done $0x0  }
0x38: {  	s29 =	sadd.s32 $0xFFFFFFB0, s26;
	[sflag:s9] =	ssyncadd.s32 $0xFFFFD800  }
0x39: {  	[tilespmem:s12], [sflag:$0x1] =	stream.indirect.gather [hbm4b:s4+s11], $0x80, s29, s11, $0xb8;
	[tilespmem:$0x1F780] =	vst v63  }
0x3a: {  	_ =	swait.ge [sflag:s17], $0x2800  }
0x3b: {  	[sflag:s17] =	ssyncset.done $0x0  }
.Ltmp0:
0x3c: {  	s28 =	sadd.s32 $0x2800, s28;
	[sflag:s17] =	ssyncadd.s32 $0xFFFFD800;
	(pc) =	sbr.rel @p0 .LBB2_2-.Ltmp0, $4  }
0x3d: {  	[spmem:s2] =	stream.indirect.scatter.add.f32 [tilespmem:s13], [sflag:$0x3], $0x80, s28, s11, $0xb8;
	[tilespmem:$0x1F780] =	vst v63  }
0x3e: {  	_ =	swait.ge [sflag:s9], $0x2800  }
0x3f: {  	[sflag:s9] =	ssyncset.done $0x0  }
0x40: {  	s26 =	sadd.s32 $0xA0, s26;
	[sflag:s9] =	ssyncadd.s32 $0xFFFFD800  }
0x41: {  	[tilespmem:s13], [sflag:$0x2] =	stream.indirect.gather [hbm4b:s4+s11], $0x80, s24, s11, $0xb8;
	[tilespmem:$0x1F780] =	vst v63  }
0x42: {  	_ =	swait.ge [sflag:s16], $0x2800  }
0x43: {  	[sflag:s16] =	ssyncset.done $0x0  }
0x44: {  	[sflag:s16] =	ssyncadd.s32 $0xFFFFD800  }
0x45: {  	[spmem:s2] =	stream.indirect.scatter.add.f32 [tilespmem:s12], [sflag:$0x3], $0x80, s18, s11, $0xb8;
	[tilespmem:$0x1F780] =	vst v63  }
0x46: {  	_ =	swait.ge [sflag:s9], $0x2800  }
0x47: {  	[sflag:s9] =	ssyncset.done $0x0  }
0x48: {  	[sflag:s9] =	ssyncadd.s32 $0xFFFFD800  }
0x49: {  	[tilespmem:s12], [sflag:$0x1] =	stream.indirect.gather [hbm4b:s4+s11], $0x80, s19, s11, $0xb8;
	[tilespmem:$0x1F780] =	vst v63  }
0x4a: {  	_ =	swait.ge [sflag:s17], $0x2800  }
0x4b: {  	[sflag:s17] =	ssyncset.done $0x0  }
0x4c: {  	[sflag:s17] =	ssyncadd.s32 $0xFFFFD800  }
0x4d: {  	[spmem:s2] =	stream.indirect.scatter.add.f32 [tilespmem:s13], [sflag:$0x3], $0x80, s20, s11, $0xb8;
	[tilespmem:$0x1F780] =	vst v63  }
0x4e: {  	_ =	swait.ge [sflag:s9], $0x2800  }
0x4f: {  	[sflag:s9] =	ssyncset.done $0x0  }
0x50: {  	[sflag:s9] =	ssyncadd.s32 $0xFFFFD800  }
0x51: {  	_ =	swait.ge [sflag:s16], $0x2800  }
0x52: {  	[sflag:s16] =	ssyncset.done $0x0  }
0x53: {  	[sflag:s16] =	ssyncadd.s32 $0xFFFFD800  }
0x54: {  	[spmem:s2] =	stream.indirect.scatter.add.f32 [tilespmem:s12], [sflag:$0x3], $0x80, s21, s11, $0xb8;
	[tilespmem:$0x1F780] =	vst v63  }
0x55: {  	_ =	swait.ge [sflag:s9], $0x2800  }
0x56: {  	s23 =	sadd.s32 $0x1, s23;
	[sflag:s9] =	ssyncset.done $0x0  }
0x57: {  	p0 =	sne.s32 s23, s8;
	[sflag:s9] =	ssyncadd.s32 $0xFFFFD800  }
.Ltmp1:
0x58: {  	[bflag:$0x0] =	sbarrier.arrive $0xFFFF;
	(pc) =	sbr.rel @p0 .LBB2_1-.Ltmp1, $4  }
0x59: {  	[hbm:s22], [sflag:s14] =	dma.local [spmem:s15], $0x2800  }
0x5a: {  	_ =	swait.ge [sflag:s9], $0x2800  }
0x5b: {  	[sflag:s9] =	ssyncset.done $0x0  }
0x5c: {  	[sflag:s9] =	ssyncadd.s32 $0xFFFFD800  }
0x5d: {  	_ =	sfence.sel $0x180000  }
0x5e: {  	[bflag:$0x0] =	sbarrier.arrive $0xFFFF  }
0x5f: {  	p0 =	sne.s32 s0, $0x0;
	_ =	strace $0x9000004D  }
0x60: {  	s0 =	sadd.s32 @!p0 $0x100000, s1;
	[bflag:$0x2] =	sbarrier.arrive $0xFFFF  }
0x61: {  	[sflag:s0] =	ssyncadd.tile.s32 @!p0 $0x1;
	_ =	shalt  }
.Lfunc_end2:
_tile_overlayer_lowered:
.L_overlay_start_2:
0x62: {  	(tag) =	ssettag $0x2  }
0x63: {  	s0 =	rddreg [dreg:$0x0];
	s2 =	stileid.u32  }
0x64: {  	s1 =	rddreg [dreg:$0x1];
	p0 =	sne.s32 s2, $0x0  }
0x65: {  	s3 =	rddreg [dreg:$0x2];
	[bflag:$0x3] =	sbarrier.arrive $0xFFFF;
	s2 =	simm.s32 @!p0 $0x1C03  }
0x66: {  	[timem:s3], [sflag:s2] =	dma.local @!p0 [hbm:s0], s1  }
0x67: {  	s0 =	simm.s32 @!p0 $0x3  }
0x68: {  	_ =	swait.ge @!p0 [sflag:s0], s1  }
0x69: {  	s1 =	ssub.s32 @!p0 $0x0, s1;
	[sflag:s0] =	ssyncset.done @!p0 $0x0  }
0x6a: {  	[sflag:s0] =	ssyncadd.s32 @!p0 s1  }
0x6b: {  	[bflag:$0x3] =	sbarrier.arrive $0xFFFF  }
0x6c: {  	_ =	shalt  }

// kernel: kernel.9.cloned.1.call-start
scs
__scs_entry_jumppad:
0x0: {  	(pc) =	sbr.rel $0x88, $3  }
0x1: {  	(tag) =	ssettag $0x0;
	lr =	simm.s32 $0x1  }
0x2: {  	[smem:$0x3F91] =	sst lr;
	_ =	strace $0xD0000000  }
0x3: {  	_ = 	snop  }
0x4: {  	_ = 	snop  }
0x5: {  	_ = 	snop  }
0x6: {  	_ = 	snop  }
0x7: {  	_ = 	snop  }
__scs_overlays_trampoline_lowered:
0x8: {  	[smem:$0x3FA0] =	sst s0  }
0x9: {  	[smem:$0x3FA1] =	sst s1  }
0xa: {  	[smem:$0x3FA2] =	sst s2  }
0xb: {  	[smem:$0x3FA3] =	sst s3  }
0xc: {  	[smem:$0x3FA4] =	sst s4  }
0xd: {  	[smem:$0x3FA5] =	sst s5  }
0xe: {  	[smem:$0x3FA6] =	sst s6  }
0xf: {  	[smem:$0x3FA7] =	sst s7  }
0x10: {  	[smem:$0x3FA8] =	sst s8  }
0x11: {  	[smem:$0x3FA9] =	sst s9;
	s0 =	simm.s32 @!p0 $0x0  }
0x12: {  	s1 =	sld [smem:$0x3F8F];
	s0 =	simm.s32 @p0 $0x1  }
0x13: {  	[smem:$0x3FAA] =	sst s0;
	s0 =	simm.s32 @!p1 $0x0  }
0x14: {  	s2 =	sld [smem:$0x3F8E];
	s0 =	simm.s32 @p1 $0x1  }
0x15: {  	[smem:$0x3FAB] =	sst s0;
	s0 =	simm.s32 @!p2 $0x0  }
0x16: {  	s3 =	sld [smem:$0x3FDB];
	s0 =	simm.s32 @p2 $0x1  }
0x17: {  	s4 =	simm.s32 $0x1BF5;
	[smem:$0x3FAD] =	sst s0  }
0x18: {  	s0 =	sld [smem:$0x3F90];
	_ =	swait.ge [sflag:s4], $0x0  }
0x19: {  	s7 =	sld [smem:$0x3F91]  }
0x1a: {  	s8 =	sadd.s32 $0xFFFFE003, lr  }
0x1b: {  	s9 =	sadd.s32 $0xFFFFFEF7, lr;
	s5 =	simm.s32 $0xFFFFFFFF;
	p2 =	slt.u32 s8, $0xFFFFF086  }
0x1c: {  	p1 =	slt.u32 s9, $0xF7A;
	s5 =	simm.s32 @!p2 $0x0  }
0x1d: {  	s5 =	simm.s32 @p1 $0x1;
	p0 =	seq.s32 s7, s2  }
0x1e: {  	s7 =	smul.u32 @!p0 $0xF7A, s2;
	p2 =	seq.s32 @!p0 s5, $0x0  }
0x1f: {  	s9 =	smul.u32 $0xF7A, s1;
	s8 =	simm.s32 @!p0 $0x1BF5;
	p2 =	por !p2, p0  }
0x20: {  	[sflag:s8] =	ssyncset.s32 @!p0 $0xFFFFF086;
	s6 =	sadd.s32 @!p0 s3, s7;
	s7 =	simm.s32 @!p0 $0x108  }
0x21: {  	s3 =	sadd.s32 s3, s9;
	s6 =	sadd.s32 @!p0 $0x88, s6;
	s7 =	simm.s32 @p2 $0x1082  }
0x22: {  	[simem:s7], [sflag:s8] =	dma.local @!p0 [hbm:s6], $0xF7A  }
0x23: {  	s9 =	sor.u32 $0xD0000000, s2;
	s6 =	simm.s32 $0x108;
	_ =	swait.ge @!p0 [sflag:s8], $0x0  }
0x24: {  	s3 =	sadd.s32 $0x88, s3;
	s6 =	simm.s32 @!p1 $0x1082;
	[sflag:s4] =	ssyncset.s32 $0xFFFFF086  }
0x25: {  	[simem:s6], [sflag:s4] =	dma.local [hbm:s3], $0xF7A  }
0x26: {  	[smem:$0x3F91] =	sst s1;
	(tag) =	ssettag s2;
	_ =	strace s9  }
0x27: {  	s1 =	sld [smem:$0x3FA1]  }
0x28: {  	s2 =	sld [smem:$0x3FA2]  }
0x29: {  	s4 =	sld [smem:$0x3FA4]  }
0x2a: {  	p0 =	seq.s32 s5, $0x0;
	s5 =	sld [smem:$0x3FA5]  }
0x2b: {  	s6 =	sld [smem:$0x3FA6]  }
0x2c: {  	s7 =	sld [smem:$0x3FA7]  }
0x2d: {  	s3 =	simm.s32 $0x108;
	s8 =	sld [smem:$0x3FA8]  }
0x2e: {  	s3 =	simm.s32 @!p0 $0x1082;
	s9 =	sld [smem:$0x3FA9]  }
0x2f: {  	lr =	sadd.s32 s0, s3;
	s0 =	sld [smem:$0x3FA0]  }
0x30: {  	s3 =	sld [smem:$0x3FA3]  }
0x31: {  	[smem:$0x3FAC] =	sst s10  }
0x32: {  	s10 =	sld [smem:$0x3FAA];
	_ =	sdelay $0x3  }
0x33: {  	p0 =	seq.s32 s10, $0x1;
	s10 =	sld [smem:$0x3FAC];
	_ =	sdelay $0x3  }
0x34: {  	[smem:$0x3FAC] =	sst s10  }
0x35: {  	s10 =	sld [smem:$0x3FAB];
	_ =	sdelay $0x3  }
0x36: {  	p1 =	seq.s32 s10, $0x1;
	s10 =	sld [smem:$0x3FAC];
	_ =	sdelay $0x3  }
0x37: {  	[smem:$0x3FAC] =	sst s10  }
0x38: {  	s10 =	sld [smem:$0x3FAD]  }
0x39: {  	_ = 	snop;
	(pc) =	sbr.ind lr, $3  }
0x3a: {  	_ = 	snop  }
0x3b: {  	_ = 	snop  }
0x3c: {  	p2 =	seq.s32 s10, $0x1;
	s10 =	sld [smem:$0x3FAC]  }
0x3d: {  	_ =	shalt  }
0x3e: {  	_ =	shalt  }
0x3f: {  	_ =	shalt  }
0x40: {  	_ =	shalt  }
0x41: {  	_ =	shalt  }
0x42: {  	_ =	shalt  }
0x43: {  	_ =	shalt  }
0x44: {  	_ =	shalt  }
0x45: {  	_ =	shalt  }
0x46: {  	_ =	shalt  }
0x47: {  	_ =	shalt  }
0x48: {  	_ =	shalt  }
0x49: {  	_ =	shalt  }
0x4a: {  	_ =	shalt  }
0x4b: {  	_ =	shalt  }
0x4c: {  	_ =	shalt  }
0x4d: {  	_ =	shalt  }
0x4e: {  	_ =	shalt  }
0x4f: {  	_ =	shalt  }
0x50: {  	_ =	shalt  }
0x51: {  	_ =	shalt  }
0x52: {  	_ =	shalt  }
0x53: {  	_ =	shalt  }
0x54: {  	_ =	shalt  }
0x55: {  	_ =	shalt  }
0x56: {  	_ =	shalt  }
0x57: {  	_ =	shalt  }
0x58: {  	_ =	shalt  }
0x59: {  	_ =	shalt  }
0x5a: {  	_ =	shalt  }
0x5b: {  	_ =	shalt  }
0x5c: {  	_ =	shalt  }
0x5d: {  	_ =	shalt  }
0x5e: {  	_ =	shalt  }
0x5f: {  	_ =	shalt  }
0x60: {  	_ =	shalt  }
0x61: {  	_ =	shalt  }
0x62: {  	_ =	shalt  }
0x63: {  	_ =	shalt  }
0x64: {  	_ =	shalt  }
0x65: {  	_ =	shalt  }
0x66: {  	_ =	shalt  }
0x67: {  	_ =	shalt  }
0x68: {  	_ =	shalt  }
0x69: {  	_ =	shalt  }
0x6a: {  	_ =	shalt  }
0x6b: {  	_ =	shalt  }
0x6c: {  	_ =	shalt  }
0x6d: {  	_ =	shalt  }
0x6e: {  	_ =	shalt  }
0x6f: {  	_ =	shalt  }
0x70: {  	_ =	shalt  }
0x71: {  	_ =	shalt  }
0x72: {  	_ =	shalt  }
0x73: {  	_ =	shalt  }
0x74: {  	_ =	shalt  }
0x75: {  	_ =	shalt  }
0x76: {  	_ =	shalt  }
0x77: {  	_ =	shalt  }
0x78: {  	_ =	shalt  }
0x79: {  	_ =	shalt  }
0x7a: {  	_ =	shalt  }
0x7b: {  	_ =	shalt  }
0x7c: {  	_ =	shalt  }
0x7d: {  	_ =	shalt  }
0x7e: {  	_ =	shalt  }
0x7f: {  	_ =	shalt  }
0x80: {  	_ =	shalt  }
0x81: {  	_ =	shalt  }
0x82: {  	_ =	shalt  }
0x83: {  	_ =	shalt  }
0x84: {  	_ =	shalt  }
0x85: {  	_ =	shalt  }
0x86: {  	_ =	shalt  }
0x87: {  	_ =	shalt  }
.Lfunc_end0:
.L_simem_size_0:
called_computation_lowered:
.L_overlay_start_0:
0x88: {  	s2 =	sld [smem:$0x3FD9]  }
0x89: {  	s3 =	sld [smem:$0x3FFE];
	_ =	sdelay $0x1  }
0x8a: {  	s1 =	srdreg.scid  }
0x8b: {  	s0 =	sand.u32 $0x1, s1  }
0x8c: {  	s16 =	sshll.u32 s0, $0xA;
	s2 =	sadd.s32 s3, s2  }
0x8d: {  	s2 =	sadd.s32 s2, s16  }
0x8e: {  	[smem:$0x3FB8] =	sst s2  }
0x8f: {  	_ = 	snop  }
0x90: {  	(tm) =	ssettm $0x1  }
0x91: {  	s17 =	sld [smem:$0x3FFB];
	_ =	sdelay $0x3  }
0x92: {  	_ =	strace s17  }
0x93: {  	s2 =	sld [smem:$0x3FFC];
	_ =	sdelay $0x3  }
0x94: {  	_ =	strace s2  }
0x95: {  	s2 =	sld [smem:$0x3FFD];
	_ =	sdelay $0x3  }
0x96: {  	_ =	strace s2  }
0x97: {  	_ =	strace $0x8FFFFFFF  }
0x98: {  	s18 =	sld [smem:$0x3FDB];
	_ =	sdelay $0x1  }
0x99: {  	s19 =	simm.s32 $_scs_section_size  }
0x9a: {  	s4 =	simm.s32 $_size__tile_overlayer_lowered;
	s5 =	simm.s32 $_tile_overlayer_lowered  }
0x9b: {  	s22 =	simm.s32 $0x1BFF;
	s21 =	sshll.u32 s5, $0x1;
	s2 =	sadd.s32 s19, s18  }
0x9c: {  	s6 =	simm.s32 $0x0;
	s20 =	sshll.u32 s4, $0x1;
	s4 =	sadd.s32 s21, s2  }
0x9d: {  	[timem:s6], [sflag:s22] =	dma.local [hbm:s4], s20  }
0x9e: {  	_ =	swait.ge [sflag:s22], s20  }
0x9f: {  	s3 =	ssub.s32 $0x0, s20;
	[sflag:s22] =	ssyncset.done $0x0  }
0xa0: {  	[sflag:s22] =	ssyncadd.s32 s3;
	_ =	sdelay $0x1  }
0xa1: {  	s23 =	simm.s32 $0x1B8B  }
0xa2: {  	_ =	swait.ge [sflag:s23], $0x1  }
0xa3: {  	[sflag:s23] =	ssyncset.done $0x0  }
0xa4: {  	s25 =	simm.s32 $0x1B8E;
	s24 =	sld [smem:$0x3FFE];
	[sflag:s23] =	ssyncadd.s32 $0xFFFFFFFF  }
0xa5: {  	s26 =	simm.s32 $execute0_lowered;
	[smem:$0x3FD2] =	sst s25  }
0xa6: {  	s4 =	sshll.u32 s26, $0x1;
	_ =	strace $0x80000046;
	[dreg:$0x1] =	wrdreg $0xFFFFFFFF  }
0xa7: {  	s28 =	simm.s32 $_size_execute0_lowered;
	s2 =	sadd.s32 s2, s4;
	[dreg:$0x0] =	wrdreg $0x0  }
0xa8: {  	s4 =	sshll.u32 s28, $0x1;
	[dreg:$0x2] =	wrdreg s2  }
0xa9: {  	[dreg:$0x3] =	wrdreg s4  }
0xaa: {  	[dreg:$0x4] =	wrdreg $0xC0  }
0xab: {  	_ =	task [dreg:s6], $0x5FFFF  }
0xac: {  	[dreg:$0x1] =	wrdreg $0xFFFFFFFF  }
0xad: {  	[dreg:$0x0] =	wrdreg $0x60  }
0xae: {  	[dreg:$0x2] =	wrdreg s24  }
0xaf: {  	[dreg:$0x3] =	wrdreg $0xB7800  }
0xb0: {  	[dreg:$0x4] =	wrdreg $0x9  }
0xb1: {  	_ =	task.clear_ibuf [dreg:s6], $0x5FFFF;
	_ =	strace $0x90000046  }
0xb2: {  	s29 =	simm.s32 $0x9;
	_ =	strace $0x80000048  }
0xb3: {  	_ =	swait.ge [sflag:s29], $0x1  }
0xb4: {  	[sflag:s29] =	ssyncadd.s32 $0xFFFFFFFF  }
0xb5: {  	_ =	strace $0x90000048  }
0xb6: {  	_ =	sfence  }
0xb7: {  	s30 =	sld [smem:$0x0];
	_ =	sdelay $0x2  }
0xb8: {  	s31 =	sshll.u32 s1, $0xD;
	s1 =	sshrl.u32 s1, $0x2  }
0xb9: {  	s3 =	sand.u32 $0x4000, s31;
	s1 =	sadd.s32 s1, s30  }
0xba: {  	s0 =	sor.u32 s3, s0;
	s1 =	sshll.u32 s1, $0x11  }
0xbb: {  	s0 =	sor.u32 s1, s0  }
0xbc: {  	s0 =	sadd.s32 $0x8F2B, s0  }
0xbd: {  	[sflag:s0] =	ssyncadd.remote.s32 $0x1  }
0xbe: {  	_ =	sfence.sel $0xFFFF  }
0xbf: {  	[dreg:$0x0] =	wrdreg $0xFFFFFFFF;
	(pc) =	sbr.abs _section_cstart, $3  }
0xc0: {  	[dreg:$0x1] =	wrdreg $0xFFFFFFFF  }
0xc1: {  	_ =	task.clear_ibuf [dreg:s6], $0x2FFFF;
	_ =	strace $0x9FFFFFFF  }
0xc2: {  	(tm) =	ssettm $0x7FFFFFFF  }
0xc3: {  	_ =	shalt  }
tec
execute0_lowered:
.L_overlay_start_1:
0x0: {  	(tag) =	ssettag $0x1  }
0x1: {  	s5 =	rddreg [dreg:$0x0];
	s1 =	srdreg.scid  }
0x2: {  	s0 =	stileid.u32;
	s2 =	rddreg [dreg:$0x1];
	s3 =	simm.s32 $0x0  }
0x3: {  	s13 =	simm.s32 $0x8F80;
	s16 =	simm.s32 $0x1;
	s17 =	simm.s32 $0x2  }
0x4: {  	s18 =	simm.s32 $0x6480;
	s19 =	simm.s32 $0x26C0;
	s20 =	simm.s32 $0x6500  }
0x5: {  	s21 =	simm.s32 $0x6580;
	s6 =	sand.u32 $0x1, s1;
	s1 =	rddreg [dreg:$0x2]  }
0x6: {  	s4 =	sshll.u32 s0, $0x1;
	[smem:$0x7FF] =	sst s3;
	s22 =	smul.u32 $0x2800, s0  }
0x7: {  	s10 =	smul.u32 $0x50000, s0;
	s14 =	sshll.u32 s0, $0x6;
	s7 =	sor.u32 s6, s4  }
0x8: {  	_ =	strace $0x80000047;
	s4 =	sadd.s32 $0x1DE00, s5;
	s9 =	smul.u32 $0x28000, s6  }
0x9: {  	s6 =	ssub.s32 $0x2, s6;
	s14 =	sor.u32 $0x1C03, s14;
	s8 =	smul.u32 $0x4E2, s7  }
0xa: {  	s7 =	sshll.u32 s7, $0xB;
	s11 =	sadd.s32 s22, s5;
	s30 =	sshrl.u32 s6, $0x1  }
0xb: {  	s31 =	sshrl.u32 s10, $0x2;
	s10 =	simm.s32 $0x2780;
	s7 =	sadd.s32 s7, s5  }
0xc: {  	s9 =	sadd.s32 s9, s5;
	s12 =	ssub.s32 s6, s30;
	s15 =	sadd.s32 s31, s2  }
0xd: {  	s8 =	sadd.s32 s8, s5;
	s6 =	sadd.s32 $0xDE00, s7;
	s7 =	sadd.s32 $0x45000, s11  }
0xe: {  	s23 =	sadd.s32 $0x6D000, s9;
	s9 =	simm.s32 $0x3;
	s11 =	simm.s32 $0x50  }
0xf: {  	s15 =	sshrl.u32 s15, $0x3;
	s5 =	sadd.s32 $0x4000, s8;
	s8 =	smax.u32 s12, $0x1  }
0x10: {  	s12 =	simm.s32 $0x6780;
	s22 =	sadd.s32 s22, s23;
	s23 =	simm.s32 $0x0  }
.LBB2_1:
0x11: {  	[tilespmem:s3], [sflag:$0x3] =	stream.linear.gather [hbm4b:s5+s3], $0x2710, $0x38;
	[tilespmem:$0x1F780] =	vst v63  }
0x12: {  	_ =	swait.ge [sflag:s9], $0x2710  }
0x13: {  	[sflag:s9] =	ssyncset.done $0x0  }
0x14: {  	[sflag:s9] =	ssyncadd.s32 $0xFFFFD8F0  }
0x15: {  	[tilespmem:s10], [sflag:$0x3] =	stream.linear.gather [hbm4b:s6+s3], $0x3E80, $0x38;
	[tilespmem:$0x1F780] =	vst v63  }
0x16: {  	_ =	swait.ge [sflag:s9], $0x3E80  }
0x17: {  	[sflag:s9] =	ssyncset.done $0x0  }
0x18: {  	[sflag:s9] =	ssyncadd.s32 $0xFFFFC180  }
0x19: {  	[tilespmem:s12], [sflag:$0x1] =	stream.indirect.gather [hbm4b:s4+s11], $0x80, s3, s11, $0xb8;
	[tilespmem:$0x1F780] =	vst v63  }
0x1a: {  	_ = 	snop  }
0x1b: {  	[tilespmem:s13], [sflag:$0x2] =	stream.indirect.gather [hbm4b:s4+s11], $0x80, s11, s11, $0xb8;
	[tilespmem:$0x1F780] =	vst v63  }
0x1c: {  	[spmem:s15], [sflag:s14] =	dma.local [hbm:s7], $0x2800  }
0x1d: {  	_ =	swait.ge [sflag:s9], $0x2800  }
0x1e: {  	[sflag:s9] =	ssyncset.done $0x0  }
0x1f: {  	[sflag:s9] =	ssyncadd.s32 $0xFFFFD800  }
0x20: {  	[bflag:$0x0] =	sbarrier.arrive $0xFFFF  }
0x21: {  	_ =	swait.ge [sflag:s16], $0x2800  }
0x22: {  	[sflag:s16] =	ssyncset.done $0x0  }
0x23: {  	s24 =	simm.s32 $0x2780;
	[sflag:s16] =	ssyncadd.s32 $0xFFFFD800  }
0x24: {  	[spmem:s2] =	stream.indirect.scatter.add.f32 [tilespmem:s12], [sflag:$0x3], $0x80, s24, s11, $0xb8;
	[tilespmem:$0x1F780] =	vst v63  }
0x25: {  	_ =	swait.ge [sflag:s9], $0x2800  }
0x26: {  	[sflag:s9] =	ssyncset.done $0x0  }
0x27: {  	s30 =	simm.s32 $0xA0;
	[sflag:s9] =	ssyncadd.s32 $0xFFFFD800  }
0x28: {  	[tilespmem:s12], [sflag:$0x1] =	stream.indirect.gather [hbm4b:s4+s11], $0x80, s30, s11, $0xb8;
	[tilespmem:$0x1F780] =	vst v63  }
0x29: {  	_ =	swait.ge [sflag:s17], $0x2800  }
0x2a: {  	[sflag:s17] =	ssyncset.done $0x0  }
0x2b: {  	s31 =	simm.s32 $0x2800;
	[sflag:s17] =	ssyncadd.s32 $0xFFFFD800  }
0x2c: {  	[spmem:s2] =	stream.indirect.scatter.add.f32 [tilespmem:s13], [sflag:$0x3], $0x80, s31, s11, $0xb8;
	[tilespmem:$0x1F780] =	vst v63  }
0x2d: {  	_ =	swait.ge [sflag:s9], $0x2800  }
0x2e: {  	s25 =	simm.s32 $0x400;
	[sflag:s9] =	ssyncset.done $0x0  }
0x2f: {  	s26 =	simm.s32 $0x190;
	s24 =	simm.s32 $0xF0;
	[sflag:s9] =	ssyncadd.s32 $0xFFFFD800  }
.LBB2_2:
0x30: {  	[tilespmem:s13], [sflag:$0x2] =	stream.indirect.gather [hbm4b:s4+s11], $0x80, s24, s11, $0xb8;
	[tilespmem:$0x1F780] =	vst v63  }
0x31: {  	s28 =	smov.u32 s25;
	s24 =	smov.u32 s26  }
0x32: {  	p0 =	sne.s32 s25, $0xF000;
	s25 =	sadd.s32 $0x400, s25;
	_ =	swait.ge [sflag:s16], $0x2800  }
0x33: {  	s28 =	sshra.s32 s28, $0x2;
	[sflag:s16] =	ssyncset.done $0x0  }
0x34: {  	s29 =	sadd.s32 $0x2780, s28;
	[sflag:s16] =	ssyncadd.s32 $0xFFFFD800  }
0x35: {  	[spmem:s2] =	stream.indirect.scatter.add.f32 [tilespmem:s12], [sflag:$0x3], $0x80, s29, s11, $0xb8;
	[tilespmem:$0x1F780] =	vst v63  }
0x36: {  	_ =	swait.ge [sflag:s9], $0x2800  }
0x37: {  	[sflag:s9] =	ssyncset.done $0x0  }
0x38: {  	s29 =	sadd.s32 $0xFFFFFFB0, s26;
	[sflag:s9] =	ssyncadd.s32 $0xFFFFD800  }
0x39: {  	[tilespmem:s12], [sflag:$0x1] =	stream.indirect.gather [hbm4b:s4+s11], $0x80, s29, s11, $0xb8;
	[tilespmem:$0x1F780] =	vst v63  }
0x3a: {  	_ =	swait.ge [sflag:s17], $0x2800  }
0x3b: {  	[sflag:s17] =	ssyncset.done $0x0  }
.Ltmp0:
0x3c: {  	s28 =	sadd.s32 $0x2800, s28;
	[sflag:s17] =	ssyncadd.s32 $0xFFFFD800;
	(pc) =	sbr.rel @p0 .LBB2_2-.Ltmp0, $4  }
0x3d: {  	[spmem:s2] =	stream.indirect.scatter.add.f32 [tilespmem:s13], [sflag:$0x3], $0x80, s28, s11, $0xb8;
	[tilespmem:$0x1F780] =	vst v63  }
0x3e: {  	_ =	swait.ge [sflag:s9], $0x2800  }
0x3f: {  	[sflag:s9] =	ssyncset.done $0x0  }
0x40: {  	s26 =	sadd.s32 $0xA0, s26;
	[sflag:s9] =	ssyncadd.s32 $0xFFFFD800  }
0x41: {  	[tilespmem:s13], [sflag:$0x2] =	stream.indirect.gather [hbm4b:s4+s11], $0x80, s24, s11, $0xb8;
	[tilespmem:$0x1F780] =	vst v63  }
0x42: {  	_ =	swait.ge [sflag:s16], $0x2800  }
0x43: {  	[sflag:s16] =	ssyncset.done $0x0  }
0x44: {  	[sflag:s16] =	ssyncadd.s32 $0xFFFFD800  }
0x45: {  	[spmem:s2] =	stream.indirect.scatter.add.f32 [tilespmem:s12], [sflag:$0x3], $0x80, s18, s11, $0xb8;
	[tilespmem:$0x1F780] =	vst v63  }
0x46: {  	_ =	swait.ge [sflag:s9], $0x2800  }
0x47: {  	[sflag:s9] =	ssyncset.done $0x0  }
0x48: {  	[sflag:s9] =	ssyncadd.s32 $0xFFFFD800  }
0x49: {  	[tilespmem:s12], [sflag:$0x1] =	stream.indirect.gather [hbm4b:s4+s11], $0x80, s19, s11, $0xb8;
	[tilespmem:$0x1F780] =	vst v63  }
0x4a: {  	_ =	swait.ge [sflag:s17], $0x2800  }
0x4b: {  	[sflag:s17] =	ssyncset.done $0x0  }
0x4c: {  	[sflag:s17] =	ssyncadd.s32 $0xFFFFD800  }
0x4d: {  	[spmem:s2] =	stream.indirect.scatter.add.f32 [tilespmem:s13], [sflag:$0x3], $0x80, s20, s11, $0xb8;
	[tilespmem:$0x1F780] =	vst v63  }
0x4e: {  	_ =	swait.ge [sflag:s9], $0x2800  }
0x4f: {  	[sflag:s9] =	ssyncset.done $0x0  }
0x50: {  	[sflag:s9] =	ssyncadd.s32 $0xFFFFD800  }
0x51: {  	_ =	swait.ge [sflag:s16], $0x2800  }
0x52: {  	[sflag:s16] =	ssyncset.done $0x0  }
0x53: {  	[sflag:s16] =	ssyncadd.s32 $0xFFFFD800  }
0x54: {  	[spmem:s2] =	stream.indirect.scatter.add.f32 [tilespmem:s12], [sflag:$0x3], $0x80, s21, s11, $0xb8;
	[tilespmem:$0x1F780] =	vst v63  }
0x55: {  	_ =	swait.ge [sflag:s9], $0x2800  }
0x56: {  	s23 =	sadd.s32 $0x1, s23;
	[sflag:s9] =	ssyncset.done $0x0  }
0x57: {  	p0 =	sne.s32 s23, s8;
	[sflag:s9] =	ssyncadd.s32 $0xFFFFD800  }
.Ltmp1:
0x58: {  	[bflag:$0x0] =	sbarrier.arrive $0xFFFF;
	(pc) =	sbr.rel @p0 .LBB2_1-.Ltmp1, $4  }
0x59: {  	[hbm:s22], [sflag:s14] =	dma.local [spmem:s15], $0x2800  }
0x5a: {  	_ =	swait.ge [sflag:s9], $0x2800  }
0x5b: {  	[sflag:s9] =	ssyncset.done $0x0  }
0x5c: {  	[sflag:s9] =	ssyncadd.s32 $0xFFFFD800  }
0x5d: {  	_ =	sfence.sel $0x180000  }
0x5e: {  	[bflag:$0x0] =	sbarrier.arrive $0xFFFF  }
0x5f: {  	p0 =	sne.s32 s0, $0x0;
	_ =	strace $0x90000047  }
0x60: {  	s0 =	sadd.s32 @!p0 $0x100000, s1;
	[bflag:$0x2] =	sbarrier.arrive $0xFFFF  }
0x61: {  	[sflag:s0] =	ssyncadd.tile.s32 @!p0 $0x1;
	_ =	shalt  }
.Lfunc_end2:
_tile_overlayer_lowered:
.L_overlay_start_2:
0x62: {  	(tag) =	ssettag $0x2  }
0x63: {  	s0 =	rddreg [dreg:$0x0];
	s2 =	stileid.u32  }
0x64: {  	s1 =	rddreg [dreg:$0x1];
	p0 =	sne.s32 s2, $0x0  }
0x65: {  	s3 =	rddreg [dreg:$0x2];
	[bflag:$0x3] =	sbarrier.arrive $0xFFFF;
	s2 =	simm.s32 @!p0 $0x1C03  }
0x66: {  	[timem:s3], [sflag:s2] =	dma.local @!p0 [hbm:s0], s1  }
0x67: {  	s0 =	simm.s32 @!p0 $0x3  }
0x68: {  	_ =	swait.ge @!p0 [sflag:s0], s1  }
0x69: {  	s1 =	ssub.s32 @!p0 $0x0, s1;
	[sflag:s0] =	ssyncset.done @!p0 $0x0  }
0x6a: {  	[sflag:s0] =	ssyncadd.s32 @!p0 s1  }
0x6b: {  	[bflag:$0x3] =	sbarrier.arrive $0xFFFF  }
0x6c: {  	_ =	shalt  }

</sc_bundles>
